<compile_context>
chip_gen: v7x
topology: tpu7x:2x2x1
jax: 0.10.2.dev20260603
libtpu: 0.0.44.dev20260713+nightly
codegen_flags: <defaults>
</compile_context>

<pallas_src>
import functools

import jax
import jax.numpy as jnp
from jax import lax
from jax.experimental import pallas as pl
from jax.experimental.pallas import tpu as pltpu
from jax.experimental.pallas import tpu_sc as plsc

_B = 4
_L = 8192
_D = 1024
_L_SC = 256
_L_TC = _L - _L_SC
_BLK = 496
assert _L_TC % _BLK == 0

_NC = 2
_NS = 16
_NW = _NC * _NS
_ROWS_PER_W = _L_SC // _NW
_CH = 8
_CHW = _CH * _D
_NCHUNK = _ROWS_PER_W // _CH
_NITEM = _NCHUNK * _B
_NBUF = 8
_AHEAD = 6
_UNROLL = 8


def _sc_body(in_hbm, pos_hbm, out_hbm, *scratch):
    in_buf = scratch[0:_NBUF]
    pos_buf = scratch[_NBUF:_NBUF + 2]
    in_sem = scratch[_NBUF + 2:2 * _NBUF + 2]
    out_sem = scratch[2 * _NBUF + 2:3 * _NBUF + 2]
    pos_sem = scratch[3 * _NBUF + 2:3 * _NBUF + 4]

    wid = lax.axis_index("s") * _NC + lax.axis_index("c")
    pbase = wid * _ROWS_PER_W * _D

    def io_off(t, b):
        return b * (_L_SC * _D) + pbase + (t // _B) * _CHW

    out_off = io_off

    def start_in(t, b, s):
        pltpu.make_async_copy(
            in_hbm.at[pl.ds(io_off(t, b), _CHW)], in_buf[s], in_sem[s]
        ).start()

    def wait_in(s):
        pltpu.make_async_copy(
            in_hbm.at[pl.ds(0, _CHW)], in_buf[s], in_sem[s]).wait()

    def start_pos(i, p):
        pltpu.make_async_copy(
            pos_hbm.at[pl.ds(pbase + i * _CHW, _CHW)], pos_buf[p], pos_sem[p]
        ).start()

    def wait_pos(p):
        pltpu.make_async_copy(
            pos_hbm.at[pl.ds(0, _CHW)], pos_buf[p], pos_sem[p]).wait()

    def start_out(t, b, s):
        pltpu.make_async_copy(
            in_buf[s], out_hbm.at[pl.ds(out_off(t, b), _CHW)], out_sem[s]
        ).start()

    def wait_out(s):
        pltpu.make_async_copy(
            in_hbm.at[pl.ds(0, _CHW)], in_buf[s], out_sem[s]).wait()

    def add_item(s, p):
        buf = in_buf[s]
        pbuf = pos_buf[p]

        def body(j, _):
            base = j * (16 * _UNROLL)
            for k in range(_UNROLL):
                sl = pl.ds(base + k * 16, 16)
                buf[sl] = buf[sl] + pbuf[sl]
            return ()
        lax.fori_loop(0, _CHW // (16 * _UNROLL), body, (), unroll=False)

    if _NCHUNK == 1:
        start_pos(0, 0)
        for b in range(_B):
            start_in(b, b, b)
        wait_pos(0)
        for b in range(_B):
            wait_in(b)
            add_item(b, 0)
            start_out(b, b, b)
        for b in range(_B):
            wait_out(b)
        return

    for t0 in range(_AHEAD):
        start_in(t0, t0 % _B, t0 % _NBUF)
    start_pos(0, 0)

    def outer(g2, _):
        for j in range(_NBUF):
            h = j // _B
            b = j % _B
            t = g2 * _NBUF + j
            slot = j

            nslot = (j + _AHEAD) % _NBUF
            nb = (j + _AHEAD) % _B
            if j < _NBUF - _AHEAD:
                @pl.when(g2 > 0)
                def _():
                    wait_out(nslot)
                start_in(t + _AHEAD, nb, nslot)
            else:
                wait_out(nslot)

                @pl.when(g2 < _NITEM // _NBUF - 1)
                def _():
                    start_in(t + _AHEAD, nb, nslot)

            if b == 0:
                if h == 0:
                    start_pos(2 * g2 + 1, 1)
                else:
                    @pl.when(g2 < _NCHUNK // 2 - 1)
                    def _():
                        start_pos(2 * g2 + 2, 0)
                wait_pos(h)

            wait_in(slot)
            add_item(slot, h)
            start_out(t, b, slot)
        return ()

    lax.fori_loop(0, _NITEM // _NBUF, outer, (), unroll=False)

    for t_last in (_NITEM - 2, _NITEM - 1):
        wait_out(t_last % _NBUF)


def _sc_call(in_flat, pos_flat):
    mesh = plsc.VectorSubcoreMesh(core_axis_name="c", subcore_axis_name="s")
    f = pl.kernel(
        _sc_body,
        mesh=mesh,
        out_type=jax.ShapeDtypeStruct((_B * _L_SC * _D,), jnp.float32),
        scratch_types=(
            [pltpu.VMEM((_CHW,), jnp.float32)] * (_NBUF + 2)
            + [pltpu.SemaphoreType.DMA] * (2 * _NBUF + 2)
        ),
    )
    return f(in_flat, pos_flat)


def _tc_body(x_ref, p_ref, o_ref):
    o_ref[...] = x_ref[...] + p_ref[...]


def _tc_call(inputs, pos_table):
    grid = (_L_TC // _BLK, _B)
    return pl.pallas_call(
        _tc_body,
        grid=grid,
        in_specs=[
            pl.BlockSpec((1, _BLK, _D), lambda l, b: (b, l, 0)),
            pl.BlockSpec((_BLK, _D), lambda l, b: (l, 0)),
        ],
        out_specs=pl.BlockSpec((1, _BLK, _D), lambda l, b: (b, l, 0)),
        out_shape=jax.ShapeDtypeStruct((_B, _L, _D), inputs.dtype),
    )(inputs, pos_table)


@jax.jit
def _hybrid(inputs, pos_table):
    sc_part = _sc_call(inputs[:, _L_TC:, :].reshape(-1),
                       pos_table[_L_TC:, :].reshape(-1))
    tc_full = _tc_call(inputs, pos_table)
    return lax.dynamic_update_slice(
        tc_full, sc_part.reshape(_B, _L_SC, _D), (0, _L_TC, 0))


def kernel(inputs, pos_table):
    return _hybrid(inputs, pos_table)

# --- scband reference (transcript-rebuilt; emitter-appended) ---
"""Pipeline reference for scband-positional-embedding-60017872995048 (READ-ONLY COPY).

The authoritative reference and input builder live on the scoring server;
editing this copy changes nothing except your own understanding.
"""

import jax, jax.numpy as jnp
import numpy as np

SEQ_LEN = 8192
OUT_DIM = 1024
BATCH = 4

def setup_inputs(seed: int = 0) -> dict:
    key = jax.random.key(seed)
    k1, k2 = jax.random.split(key)
    inputs = jax.random.normal(k1, (BATCH, SEQ_LEN, OUT_DIM), dtype=jnp.float32)
    # nn.Embedding default init: N(0, 1)
    pos_table = jax.random.normal(k2, (SEQ_LEN, OUT_DIM), dtype=jnp.float32)
    return {"inputs": inputs, "pos_table": pos_table}

def reference(inputs, pos_table):
    batch_size, length, num_features = inputs.shape
    positions = jnp.tile(jnp.arange(length)[None, :], (batch_size, 1))  # [B, L]
    embedded_positions = jnp.take(pos_table, positions, axis=0)  # [B, L, D]
    return inputs + embedded_positions

if __name__ == "__main__":
    import jax
    _d = setup_inputs()
    print(jax.jit(kernel)(*tuple(_d.values())))

</pallas_src>

<mosaic_0001>
#map = affine_map<(d0, d1) -> (0)>
module attributes {stable_mosaic.version = 14 : i64} {
  func.func @_sc_body(%arg0: i32, %arg1: i32, %arg2: memref<1048576xf32, #tpu.memory_space<hbm>>, %arg3: memref<262144xf32, #tpu.memory_space<hbm>>, %arg4: memref<1048576xf32, #tpu.memory_space<hbm>>, %arg5: memref<8192xf32, #tpu.memory_space<vmem>>, %arg6: memref<8192xf32, #tpu.memory_space<vmem>>, %arg7: memref<8192xf32, #tpu.memory_space<vmem>>, %arg8: memref<8192xf32, #tpu.memory_space<vmem>>, %arg9: memref<8192xf32, #tpu.memory_space<vmem>>, %arg10: memref<8192xf32, #tpu.memory_space<vmem>>, %arg11: memref<8192xf32, #tpu.memory_space<vmem>>, %arg12: memref<8192xf32, #tpu.memory_space<vmem>>, %arg13: memref<8192xf32, #tpu.memory_space<vmem>>, %arg14: memref<8192xf32, #tpu.memory_space<vmem>>, %arg15: memref<!tpu.dma_semaphore, #tpu.memory_space<semaphore_mem>>, %arg16: memref<!tpu.dma_semaphore, #tpu.memory_space<semaphore_mem>>, %arg17: memref<!tpu.dma_semaphore, #tpu.memory_space<semaphore_mem>>, %arg18: memref<!tpu.dma_semaphore, #tpu.memory_space<semaphore_mem>>, %arg19: memref<!tpu.dma_semaphore, #tpu.memory_space<semaphore_mem>>, %arg20: memref<!tpu.dma_semaphore, #tpu.memory_space<semaphore_mem>>, %arg21: memref<!tpu.dma_semaphore, #tpu.memory_space<semaphore_mem>>, %arg22: memref<!tpu.dma_semaphore, #tpu.memory_space<semaphore_mem>>, %arg23: memref<!tpu.dma_semaphore, #tpu.memory_space<semaphore_mem>>, %arg24: memref<!tpu.dma_semaphore, #tpu.memory_space<semaphore_mem>>, %arg25: memref<!tpu.dma_semaphore, #tpu.memory_space<semaphore_mem>>, %arg26: memref<!tpu.dma_semaphore, #tpu.memory_space<semaphore_mem>>, %arg27: memref<!tpu.dma_semaphore, #tpu.memory_space<semaphore_mem>>, %arg28: memref<!tpu.dma_semaphore, #tpu.memory_space<semaphore_mem>>, %arg29: memref<!tpu.dma_semaphore, #tpu.memory_space<semaphore_mem>>, %arg30: memref<!tpu.dma_semaphore, #tpu.memory_space<semaphore_mem>>, %arg31: memref<!tpu.dma_semaphore, #tpu.memory_space<semaphore_mem>>, %arg32: memref<!tpu.dma_semaphore, #tpu.memory_space<semaphore_mem>>) attributes {dimension_semantics = [#tpu.dimension_semantics<core_parallel>, #tpu.dimension_semantics<subcore_parallel>], iteration_bounds = array<i64: 2, 16>, scalar_prefetch = 0 : i64, scratch_operands = 28 : i64, tpu.core_type = #tpu.core_type<sc_vector_subcore>, window_params = [{transform_indices = #map}, {transform_indices = #map}, {transform_indices = #map}]} {
    %mul3A = arith.constant 2 : i32
    %mul3A_0 = arith.muli %arg1, %mul3A : i32
    %add3A = arith.addi %mul3A_0, %arg0 : i32
    %mul3A_1 = arith.constant 8 : i32
    %mul3A_2 = arith.muli %add3A, %mul3A_1 : i32
    %mul3A_3 = arith.constant 1024 : i32
    %mul3A_4 = arith.muli %mul3A_2, %mul3A_3 : i32
    %add3A_5 = arith.constant 0 : i32
    %add3A_6 = arith.addi %mul3A_4, %add3A_5 : i32
    %dma_start3A = tpu.memref_slice %arg3[%add3A_6] : memref<262144xf32, #tpu.memory_space<hbm>> -> memref<8192xf32, #tpu.memory_space<hbm>>
    %dma_start3A_7 = tpu.memref_slice %arg3[%add3A_6] : memref<262144xf32, #tpu.memory_space<hbm>> -> memref<8192xf32, #tpu.memory_space<hbm>>
    tpu.enqueue_dma source(%dma_start3A_7 : memref<8192xf32, #tpu.memory_space<hbm>>) target(%arg13 : memref<8192xf32, #tpu.memory_space<vmem>>) target_semaphore(%arg31 : memref<!tpu.dma_semaphore, #tpu.memory_space<semaphore_mem>>)
    %add3A_8 = arith.constant 0 : i32
    %add3A_9 = arith.addi %add3A_8, %mul3A_4 : i32
    %add3A_10 = arith.constant 0 : i32
    %add3A_11 = arith.addi %add3A_9, %add3A_10 : i32
    %dma_start3A_12 = tpu.memref_slice %arg2[%add3A_11] : memref<1048576xf32, #tpu.memory_space<hbm>> -> memref<8192xf32, #tpu.memory_space<hbm>>
    %dma_start3A_13 = tpu.memref_slice %arg2[%add3A_11] : memref<1048576xf32, #tpu.memory_space<hbm>> -> memref<8192xf32, #tpu.memory_space<hbm>>
    tpu.enqueue_dma source(%dma_start3A_13 : memref<8192xf32, #tpu.memory_space<hbm>>) target(%arg5 : memref<8192xf32, #tpu.memory_space<vmem>>) target_semaphore(%arg15 : memref<!tpu.dma_semaphore, #tpu.memory_space<semaphore_mem>>)
    %add3A_14 = arith.constant 262144 : i32
    %add3A_15 = arith.addi %add3A_14, %mul3A_4 : i32
    %add3A_16 = arith.constant 0 : i32
    %add3A_17 = arith.addi %add3A_15, %add3A_16 : i32
    %dma_start3A_18 = tpu.memref_slice %arg2[%add3A_17] : memref<1048576xf32, #tpu.memory_space<hbm>> -> memref<8192xf32, #tpu.memory_space<hbm>>
    %dma_start3A_19 = tpu.memref_slice %arg2[%add3A_17] : memref<1048576xf32, #tpu.memory_space<hbm>> -> memref<8192xf32, #tpu.memory_space<hbm>>
    tpu.enqueue_dma source(%dma_start3A_19 : memref<8192xf32, #tpu.memory_space<hbm>>) target(%arg6 : memref<8192xf32, #tpu.memory_space<vmem>>) target_semaphore(%arg16 : memref<!tpu.dma_semaphore, #tpu.memory_space<semaphore_mem>>)
    %add3A_20 = arith.constant 524288 : i32
    %add3A_21 = arith.addi %add3A_20, %mul3A_4 : i32
    %add3A_22 = arith.constant 0 : i32
    %add3A_23 = arith.addi %add3A_21, %add3A_22 : i32
    %dma_start3A_24 = tpu.memref_slice %arg2[%add3A_23] : memref<1048576xf32, #tpu.memory_space<hbm>> -> memref<8192xf32, #tpu.memory_space<hbm>>
    %dma_start3A_25 = tpu.memref_slice %arg2[%add3A_23] : memref<1048576xf32, #tpu.memory_space<hbm>> -> memref<8192xf32, #tpu.memory_space<hbm>>
    tpu.enqueue_dma source(%dma_start3A_25 : memref<8192xf32, #tpu.memory_space<hbm>>) target(%arg7 : memref<8192xf32, #tpu.memory_space<vmem>>) target_semaphore(%arg17 : memref<!tpu.dma_semaphore, #tpu.memory_space<semaphore_mem>>)
    %add3A_26 = arith.constant 786432 : i32
    %add3A_27 = arith.addi %add3A_26, %mul3A_4 : i32
    %add3A_28 = arith.constant 0 : i32
    %add3A_29 = arith.addi %add3A_27, %add3A_28 : i32
    %dma_start3A_30 = tpu.memref_slice %arg2[%add3A_29] : memref<1048576xf32, #tpu.memory_space<hbm>> -> memref<8192xf32, #tpu.memory_space<hbm>>
    %dma_start3A_31 = tpu.memref_slice %arg2[%add3A_29] : memref<1048576xf32, #tpu.memory_space<hbm>> -> memref<8192xf32, #tpu.memory_space<hbm>>
    tpu.enqueue_dma source(%dma_start3A_31 : memref<8192xf32, #tpu.memory_space<hbm>>) target(%arg8 : memref<8192xf32, #tpu.memory_space<vmem>>) target_semaphore(%arg18 : memref<!tpu.dma_semaphore, #tpu.memory_space<semaphore_mem>>)
    %dma_wait3A = arith.constant 0 : i32
    %dma_wait3A_32 = tpu.memref_slice %arg3[%dma_wait3A] : memref<262144xf32, #tpu.memory_space<hbm>> -> memref<8192xf32, #tpu.memory_space<hbm>>
    %dma_wait3A_33 = arith.constant 0 : i32
    %dma_wait3A_34 = tpu.memref_slice %arg3[%dma_wait3A_33] : memref<262144xf32, #tpu.memory_space<hbm>> -> memref<8192xf32, #tpu.memory_space<hbm>>
    tpu.wait_dma2 semaphore(%arg31 : memref<!tpu.dma_semaphore, #tpu.memory_space<semaphore_mem>>) src(%dma_wait3A_34 : memref<8192xf32, #tpu.memory_space<hbm>>) dst(%arg13 : memref<8192xf32, #tpu.memory_space<vmem>>)
    %dma_wait3A_35 = arith.constant 0 : i32
    %dma_wait3A_36 = tpu.memref_slice %arg2[%dma_wait3A_35] : memref<1048576xf32, #tpu.memory_space<hbm>> -> memref<8192xf32, #tpu.memory_space<hbm>>
    %dma_wait3A_37 = arith.constant 0 : i32
    %dma_wait3A_38 = tpu.memref_slice %arg2[%dma_wait3A_37] : memref<1048576xf32, #tpu.memory_space<hbm>> -> memref<8192xf32, #tpu.memory_space<hbm>>
    tpu.wait_dma2 semaphore(%arg15 : memref<!tpu.dma_semaphore, #tpu.memory_space<semaphore_mem>>) src(%dma_wait3A_38 : memref<8192xf32, #tpu.memory_space<hbm>>) dst(%arg5 : memref<8192xf32, #tpu.memory_space<vmem>>)
    %scan3A = arith.constant 0 : i32
    %scan3A_39 = arith.constant 64 : i32
    %scan3A_40 = arith.addi %scan3A, %scan3A_39 : i32
    %scan3A_41 = arith.constant 1 : i32
    scf.for %scan3A_110 = %scan3A to %scan3A_40 step %scan3A_41  : i32 {
      %mul3A_111 = arith.constant 128 : i32
      %mul3A_112 = arith.muli %scan3A_110, %mul3A_111 : i32
      %add3A_113 = arith.constant 0 : i32
      %add3A_114 = arith.addi %mul3A_112, %add3A_113 : i32
      %get3A = arith.index_cast %add3A_114 : i32 to index
      %get3A_115 = tpu.vector_load %arg5[%get3A] {strides = array<i32>} : memref<8192xf32, #tpu.memory_space<vmem>>, vector<16xf32>,
      %get3A_116 = vector.shape_cast %get3A_115 : vector<16xf32> to vector<16xf32>
      %get3A_117 = arith.index_cast %add3A_114 : i32 to index
      %get3A_118 = tpu.vector_load %arg13[%get3A_117] {strides = array<i32>} : memref<8192xf32, #tpu.memory_space<vmem>>, vector<16xf32>,
      %get3A_119 = vector.shape_cast %get3A_118 : vector<16xf32> to vector<16xf32>
      %add3A_120 = arith.addf %get3A_116, %get3A_119 : vector<16xf32>
      %swap3A = arith.index_cast %add3A_114 : i32 to index
      %swap3A_121 = tpu.vector_load %arg5[%swap3A] {strides = array<i32>} : memref<8192xf32, #tpu.memory_space<vmem>>, vector<16xf32>,
      %swap3A_122 = vector.shape_cast %swap3A_121 : vector<16xf32> to vector<16xf32>
      %swap3A_123 = vector.shape_cast %add3A_120 : vector<16xf32> to vector<16xf32>
      tpu.vector_store %arg5[%swap3A], %swap3A_123 {strides = array<i32>} : memref<8192xf32, #tpu.memory_space<vmem>>, vector<16xf32>,
      %add3A_124 = arith.constant 16 : i32
      %add3A_125 = arith.addi %mul3A_112, %add3A_124 : i32
      %get3A_126 = arith.index_cast %add3A_125 : i32 to index
      %get3A_127 = tpu.vector_load %arg5[%get3A_126] {strides = array<i32>} : memref<8192xf32, #tpu.memory_space<vmem>>, vector<16xf32>,
      %get3A_128 = vector.shape_cast %get3A_127 : vector<16xf32> to vector<16xf32>
      %get3A_129 = arith.index_cast %add3A_125 : i32 to index
      %get3A_130 = tpu.vector_load %arg13[%get3A_129] {strides = array<i32>} : memref<8192xf32, #tpu.memory_space<vmem>>, vector<16xf32>,
      %get3A_131 = vector.shape_cast %get3A_130 : vector<16xf32> to vector<16xf32>
      %add3A_132 = arith.addf %get3A_128, %get3A_131 : vector<16xf32>
      %swap3A_133 = arith.index_cast %add3A_125 : i32 to index
      %swap3A_134 = tpu.vector_load %arg5[%swap3A_133] {strides = array<i32>} : memref<8192xf32, #tpu.memory_space<vmem>>, vector<16xf32>,
      %swap3A_135 = vector.shape_cast %swap3A_134 : vector<16xf32> to vector<16xf32>
      %swap3A_136 = vector.shape_cast %add3A_132 : vector<16xf32> to vector<16xf32>
      tpu.vector_store %arg5[%swap3A_133], %swap3A_136 {strides = array<i32>} : memref<8192xf32, #tpu.memory_space<vmem>>, vector<16xf32>,
      %add3A_137 = arith.constant 32 : i32
      %add3A_138 = arith.addi %mul3A_112, %add3A_137 : i32
      %get3A_139 = arith.index_cast %add3A_138 : i32 to index
      %get3A_140 = tpu.vector_load %arg5[%get3A_139] {strides = array<i32>} : memref<8192xf32, #tpu.memory_space<vmem>>, vector<16xf32>,
      %get3A_141 = vector.shape_cast %get3A_140 : vector<16xf32> to vector<16xf32>
      %get3A_142 = arith.index_cast %add3A_138 : i32 to index
      %get3A_143 = tpu.vector_load %arg13[%get3A_142] {strides = array<i32>} : memref<8192xf32, #tpu.memory_space<vmem>>, vector<16xf32>,
      %get3A_144 = vector.shape_cast %get3A_143 : vector<16xf32> to vector<16xf32>
      %add3A_145 = arith.addf %get3A_141, %get3A_144 : vector<16xf32>
      %swap3A_146 = arith.index_cast %add3A_138 : i32 to index
      %swap3A_147 = tpu.vector_load %arg5[%swap3A_146] {strides = array<i32>} : memref<8192xf32, #tpu.memory_space<vmem>>, vector<16xf32>,
      %swap3A_148 = vector.shape_cast %swap3A_147 : vector<16xf32> to vector<16xf32>
      %swap3A_149 = vector.shape_cast %add3A_145 : vector<16xf32> to vector<16xf32>
      tpu.vector_store %arg5[%swap3A_146], %swap3A_149 {strides = array<i32>} : memref<8192xf32, #tpu.memory_space<vmem>>, vector<16xf32>,
      %add3A_150 = arith.constant 48 : i32
      %add3A_151 = arith.addi %mul3A_112, %add3A_150 : i32
      %get3A_152 = arith.index_cast %add3A_151 : i32 to index
      %get3A_153 = tpu.vector_load %arg5[%get3A_152] {strides = array<i32>} : memref<8192xf32, #tpu.memory_space<vmem>>, vector<16xf32>,
      %get3A_154 = vector.shape_cast %get3A_153 : vector<16xf32> to vector<16xf32>
      %get3A_155 = arith.index_cast %add3A_151 : i32 to index
      %get3A_156 = tpu.vector_load %arg13[%get3A_155] {strides = array<i32>} : memref<8192xf32, #tpu.memory_space<vmem>>, vector<16xf32>,
      %get3A_157 = vector.shape_cast %get3A_156 : vector<16xf32> to vector<16xf32>
      %add3A_158 = arith.addf %get3A_154, %get3A_157 : vector<16xf32>
      %swap3A_159 = arith.index_cast %add3A_151 : i32 to index
      %swap3A_160 = tpu.vector_load %arg5[%swap3A_159] {strides = array<i32>} : memref<8192xf32, #tpu.memory_space<vmem>>, vector<16xf32>,
      %swap3A_161 = vector.shape_cast %swap3A_160 : vector<16xf32> to vector<16xf32>
      %swap3A_162 = vector.shape_cast %add3A_158 : vector<16xf32> to vector<16xf32>
      tpu.vector_store %arg5[%swap3A_159], %swap3A_162 {strides = array<i32>} : memref<8192xf32, #tpu.memory_space<vmem>>, vector<16xf32>,
      %add3A_163 = arith.constant 64 : i32
      %add3A_164 = arith.addi %mul3A_112, %add3A_163 : i32
      %get3A_165 = arith.index_cast %add3A_164 : i32 to index
      %get3A_166 = tpu.vector_load %arg5[%get3A_165] {strides = array<i32>} : memref<8192xf32, #tpu.memory_space<vmem>>, vector<16xf32>,
      %get3A_167 = vector.shape_cast %get3A_166 : vector<16xf32> to vector<16xf32>
      %get3A_168 = arith.index_cast %add3A_164 : i32 to index
      %get3A_169 = tpu.vector_load %arg13[%get3A_168] {strides = array<i32>} : memref<8192xf32, #tpu.memory_space<vmem>>, vector<16xf32>,
      %get3A_170 = vector.shape_cast %get3A_169 : vector<16xf32> to vector<16xf32>
      %add3A_171 = arith.addf %get3A_167, %get3A_170 : vector<16xf32>
      %swap3A_172 = arith.index_cast %add3A_164 : i32 to index
      %swap3A_173 = tpu.vector_load %arg5[%swap3A_172] {strides = array<i32>} : memref<8192xf32, #tpu.memory_space<vmem>>, vector<16xf32>,
      %swap3A_174 = vector.shape_cast %swap3A_173 : vector<16xf32> to vector<16xf32>
      %swap3A_175 = vector.shape_cast %add3A_171 : vector<16xf32> to vector<16xf32>
      tpu.vector_store %arg5[%swap3A_172], %swap3A_175 {strides = array<i32>} : memref<8192xf32, #tpu.memory_space<vmem>>, vector<16xf32>,
      %add3A_176 = arith.constant 80 : i32
      %add3A_177 = arith.addi %mul3A_112, %add3A_176 : i32
      %get3A_178 = arith.index_cast %add3A_177 : i32 to index
      %get3A_179 = tpu.vector_load %arg5[%get3A_178] {strides = array<i32>} : memref<8192xf32, #tpu.memory_space<vmem>>, vector<16xf32>,
      %get3A_180 = vector.shape_cast %get3A_179 : vector<16xf32> to vector<16xf32>
      %get3A_181 = arith.index_cast %add3A_177 : i32 to index
      %get3A_182 = tpu.vector_load %arg13[%get3A_181] {strides = array<i32>} : memref<8192xf32, #tpu.memory_space<vmem>>, vector<16xf32>,
      %get3A_183 = vector.shape_cast %get3A_182 : vector<16xf32> to vector<16xf32>
      %add3A_184 = arith.addf %get3A_180, %get3A_183 : vector<16xf32>
      %swap3A_185 = arith.index_cast %add3A_177 : i32 to index
      %swap3A_186 = tpu.vector_load %arg5[%swap3A_185] {strides = array<i32>} : memref<8192xf32, #tpu.memory_space<vmem>>, vector<16xf32>,
      %swap3A_187 = vector.shape_cast %swap3A_186 : vector<16xf32> to vector<16xf32>
      %swap3A_188 = vector.shape_cast %add3A_184 : vector<16xf32> to vector<16xf32>
      tpu.vector_store %arg5[%swap3A_185], %swap3A_188 {strides = array<i32>} : memref<8192xf32, #tpu.memory_space<vmem>>, vector<16xf32>,
      %add3A_189 = arith.constant 96 : i32
      %add3A_190 = arith.addi %mul3A_112, %add3A_189 : i32
      %get3A_191 = arith.index_cast %add3A_190 : i32 to index
      %get3A_192 = tpu.vector_load %arg5[%get3A_191] {strides = array<i32>} : memref<8192xf32, #tpu.memory_space<vmem>>, vector<16xf32>,
      %get3A_193 = vector.shape_cast %get3A_192 : vector<16xf32> to vector<16xf32>
      %get3A_194 = arith.index_cast %add3A_190 : i32 to index
      %get3A_195 = tpu.vector_load %arg13[%get3A_194] {strides = array<i32>} : memref<8192xf32, #tpu.memory_space<vmem>>, vector<16xf32>,
      %get3A_196 = vector.shape_cast %get3A_195 : vector<16xf32> to vector<16xf32>
      %add3A_197 = arith.addf %get3A_193, %get3A_196 : vector<16xf32>
      %swap3A_198 = arith.index_cast %add3A_190 : i32 to index
      %swap3A_199 = tpu.vector_load %arg5[%swap3A_198] {strides = array<i32>} : memref<8192xf32, #tpu.memory_space<vmem>>, vector<16xf32>,
      %swap3A_200 = vector.shape_cast %swap3A_199 : vector<16xf32> to vector<16xf32>
      %swap3A_201 = vector.shape_cast %add3A_197 : vector<16xf32> to vector<16xf32>
      tpu.vector_store %arg5[%swap3A_198], %swap3A_201 {strides = array<i32>} : memref<8192xf32, #tpu.memory_space<vmem>>, vector<16xf32>,
      %add3A_202 = arith.constant 112 : i32
      %add3A_203 = arith.addi %mul3A_112, %add3A_202 : i32
      %get3A_204 = arith.index_cast %add3A_203 : i32 to index
      %get3A_205 = tpu.vector_load %arg5[%get3A_204] {strides = array<i32>} : memref<8192xf32, #tpu.memory_space<vmem>>, vector<16xf32>,
      %get3A_206 = vector.shape_cast %get3A_205 : vector<16xf32> to vector<16xf32>
      %get3A_207 = arith.index_cast %add3A_203 : i32 to index
      %get3A_208 = tpu.vector_load %arg13[%get3A_207] {strides = array<i32>} : memref<8192xf32, #tpu.memory_space<vmem>>, vector<16xf32>,
      %get3A_209 = vector.shape_cast %get3A_208 : vector<16xf32> to vector<16xf32>
      %add3A_210 = arith.addf %get3A_206, %get3A_209 : vector<16xf32>
      %swap3A_211 = arith.index_cast %add3A_203 : i32 to index
      %swap3A_212 = tpu.vector_load %arg5[%swap3A_211] {strides = array<i32>} : memref<8192xf32, #tpu.memory_space<vmem>>, vector<16xf32>,
      %swap3A_213 = vector.shape_cast %swap3A_212 : vector<16xf32> to vector<16xf32>
      %swap3A_214 = vector.shape_cast %add3A_210 : vector<16xf32> to vector<16xf32>
      tpu.vector_store %arg5[%swap3A_211], %swap3A_214 {strides = array<i32>} : memref<8192xf32, #tpu.memory_space<vmem>>, vector<16xf32>,
    }
    %scan3A_42 = arith.constant 64 : i32
    %add3A_43 = arith.constant 0 : i32
    %add3A_44 = arith.addi %add3A_43, %mul3A_4 : i32
    %add3A_45 = arith.constant 0 : i32
    %add3A_46 = arith.addi %add3A_44, %add3A_45 : i32
    %dma_start3A_47 = tpu.memref_slice %arg4[%add3A_46] : memref<1048576xf32, #tpu.memory_space<hbm>> -> memref<8192xf32, #tpu.memory_space<hbm>>
    %dma_start3A_48 = tpu.memref_slice %arg4[%add3A_46] : memref<1048576xf32, #tpu.memory_space<hbm>> -> memref<8192xf32, #tpu.memory_space<hbm>>
    tpu.enqueue_dma source(%arg5 : memref<8192xf32, #tpu.memory_space<vmem>>) target(%dma_start3A_48 : memref<8192xf32, #tpu.memory_space<hbm>>) target_semaphore(%arg23 : memref<!tpu.dma_semaphore, #tpu.memory_space<semaphore_mem>>)
    %dma_wait3A_49 = arith.constant 0 : i32
    %dma_wait3A_50 = tpu.memref_slice %arg2[%dma_wait3A_49] : memref<1048576xf32, #tpu.memory_space<hbm>> -> memref<8192xf32, #tpu.memory_space<hbm>>
    %dma_wait3A_51 = arith.constant 0 : i32
    %dma_wait3A_52 = tpu.memref_slice %arg2[%dma_wait3A_51] : memref<1048576xf32, #tpu.memory_space<hbm>> -> memref<8192xf32, #tpu.memory_space<hbm>>
    tpu.wait_dma2 semaphore(%arg16 : memref<!tpu.dma_semaphore, #tpu.memory_space<semaphore_mem>>) src(%dma_wait3A_52 : memref<8192xf32, #tpu.memory_space<hbm>>) dst(%arg6 : memref<8192xf32, #tpu.memory_space<vmem>>)
    %scan3A_53 = arith.constant 0 : i32
    %scan3A_54 = arith.constant 64 : i32
    %scan3A_55 = arith.addi %scan3A_53, %scan3A_54 : i32
    %scan3A_56 = arith.constant 1 : i32
    scf.for %scan3A_110 = %scan3A_53 to %scan3A_55 step %scan3A_56  : i32 {
      %mul3A_111 = arith.constant 128 : i32
      %mul3A_112 = arith.muli %scan3A_110, %mul3A_111 : i32
      %add3A_113 = arith.constant 0 : i32
      %add3A_114 = arith.addi %mul3A_112, %add3A_113 : i32
      %get3A = arith.index_cast %add3A_114 : i32 to index
      %get3A_115 = tpu.vector_load %arg6[%get3A] {strides = array<i32>} : memref<8192xf32, #tpu.memory_space<vmem>>, vector<16xf32>,
      %get3A_116 = vector.shape_cast %get3A_115 : vector<16xf32> to vector<16xf32>
      %get3A_117 = arith.index_cast %add3A_114 : i32 to index
      %get3A_118 = tpu.vector_load %arg13[%get3A_117] {strides = array<i32>} : memref<8192xf32, #tpu.memory_space<vmem>>, vector<16xf32>,
      %get3A_119 = vector.shape_cast %get3A_118 : vector<16xf32> to vector<16xf32>
      %add3A_120 = arith.addf %get3A_116, %get3A_119 : vector<16xf32>
      %swap3A = arith.index_cast %add3A_114 : i32 to index
      %swap3A_121 = tpu.vector_load %arg6[%swap3A] {strides = array<i32>} : memref<8192xf32, #tpu.memory_space<vmem>>, vector<16xf32>,
      %swap3A_122 = vector.shape_cast %swap3A_121 : vector<16xf32> to vector<16xf32>
      %swap3A_123 = vector.shape_cast %add3A_120 : vector<16xf32> to vector<16xf32>
      tpu.vector_store %arg6[%swap3A], %swap3A_123 {strides = array<i32>} : memref<8192xf32, #tpu.memory_space<vmem>>, vector<16xf32>,
      %add3A_124 = arith.constant 16 : i32
      %add3A_125 = arith.addi %mul3A_112, %add3A_124 : i32
      %get3A_126 = arith.index_cast %add3A_125 : i32 to index
      %get3A_127 = tpu.vector_load %arg6[%get3A_126] {strides = array<i32>} : memref<8192xf32, #tpu.memory_space<vmem>>, vector<16xf32>,
      %get3A_128 = vector.shape_cast %get3A_127 : vector<16xf32> to vector<16xf32>
      %get3A_129 = arith.index_cast %add3A_125 : i32 to index
      %get3A_130 = tpu.vector_load %arg13[%get3A_129] {strides = array<i32>} : memref<8192xf32, #tpu.memory_space<vmem>>, vector<16xf32>,
      %get3A_131 = vector.shape_cast %get3A_130 : vector<16xf32> to vector<16xf32>
      %add3A_132 = arith.addf %get3A_128, %get3A_131 : vector<16xf32>
      %swap3A_133 = arith.index_cast %add3A_125 : i32 to index
      %swap3A_134 = tpu.vector_load %arg6[%swap3A_133] {strides = array<i32>} : memref<8192xf32, #tpu.memory_space<vmem>>, vector<16xf32>,
      %swap3A_135 = vector.shape_cast %swap3A_134 : vector<16xf32> to vector<16xf32>
      %swap3A_136 = vector.shape_cast %add3A_132 : vector<16xf32> to vector<16xf32>
      tpu.vector_store %arg6[%swap3A_133], %swap3A_136 {strides = array<i32>} : memref<8192xf32, #tpu.memory_space<vmem>>, vector<16xf32>,
      %add3A_137 = arith.constant 32 : i32
      %add3A_138 = arith.addi %mul3A_112, %add3A_137 : i32
      %get3A_139 = arith.index_cast %add3A_138 : i32 to index
      %get3A_140 = tpu.vector_load %arg6[%get3A_139] {strides = array<i32>} : memref<8192xf32, #tpu.memory_space<vmem>>, vector<16xf32>,
      %get3A_141 = vector.shape_cast %get3A_140 : vector<16xf32> to vector<16xf32>
      %get3A_142 = arith.index_cast %add3A_138 : i32 to index
      %get3A_143 = tpu.vector_load %arg13[%get3A_142] {strides = array<i32>} : memref<8192xf32, #tpu.memory_space<vmem>>, vector<16xf32>,
      %get3A_144 = vector.shape_cast %get3A_143 : vector<16xf32> to vector<16xf32>
      %add3A_145 = arith.addf %get3A_141, %get3A_144 : vector<16xf32>
      %swap3A_146 = arith.index_cast %add3A_138 : i32 to index
      %swap3A_147 = tpu.vector_load %arg6[%swap3A_146] {strides = array<i32>} : memref<8192xf32, #tpu.memory_space<vmem>>, vector<16xf32>,
      %swap3A_148 = vector.shape_cast %swap3A_147 : vector<16xf32> to vector<16xf32>
      %swap3A_149 = vector.shape_cast %add3A_145 : vector<16xf32> to vector<16xf32>
      tpu.vector_store %arg6[%swap3A_146], %swap3A_149 {strides = array<i32>} : memref<8192xf32, #tpu.memory_space<vmem>>, vector<16xf32>,
      %add3A_150 = arith.constant 48 : i32
      %add3A_151 = arith.addi %mul3A_112, %add3A_150 : i32
      %get3A_152 = arith.index_cast %add3A_151 : i32 to index
      %get3A_153 = tpu.vector_load %arg6[%get3A_152] {strides = array<i32>} : memref<8192xf32, #tpu.memory_space<vmem>>, vector<16xf32>,
      %get3A_154 = vector.shape_cast %get3A_153 : vector<16xf32> to vector<16xf32>
      %get3A_155 = arith.index_cast %add3A_151 : i32 to index
      %get3A_156 = tpu.vector_load %arg13[%get3A_155] {strides = array<i32>} : memref<8192xf32, #tpu.memory_space<vmem>>, vector<16xf32>,
      %get3A_157 = vector.shape_cast %get3A_156 : vector<16xf32> to vector<16xf32>
      %add3A_158 = arith.addf %get3A_154, %get3A_157 : vector<16xf32>
      %swap3A_159 = arith.index_cast %add3A_151 : i32 to index
      %swap3A_160 = tpu.vector_load %arg6[%swap3A_159] {strides = array<i32>} : memref<8192xf32, #tpu.memory_space<vmem>>, vector<16xf32>,
      %swap3A_161 = vector.shape_cast %swap3A_160 : vector<16xf32> to vector<16xf32>
      %swap3A_162 = vector.shape_cast %add3A_158 : vector<16xf32> to vector<16xf32>
      tpu.vector_store %arg6[%swap3A_159], %swap3A_162 {strides = array<i32>} : memref<8192xf32, #tpu.memory_space<vmem>>, vector<16xf32>,
      %add3A_163 = arith.constant 64 : i32
      %add3A_164 = arith.addi %mul3A_112, %add3A_163 : i32
      %get3A_165 = arith.index_cast %add3A_164 : i32 to index
      %get3A_166 = tpu.vector_load %arg6[%get3A_165] {strides = array<i32>} : memref<8192xf32, #tpu.memory_space<vmem>>, vector<16xf32>,
      %get3A_167 = vector.shape_cast %get3A_166 : vector<16xf32> to vector<16xf32>
      %get3A_168 = arith.index_cast %add3A_164 : i32 to index
      %get3A_169 = tpu.vector_load %arg13[%get3A_168] {strides = array<i32>} : memref<8192xf32, #tpu.memory_space<vmem>>, vector<16xf32>,
      %get3A_170 = vector.shape_cast %get3A_169 : vector<16xf32> to vector<16xf32>
      %add3A_171 = arith.addf %get3A_167, %get3A_170 : vector<16xf32>
      %swap3A_172 = arith.index_cast %add3A_164 : i32 to index
      %swap3A_173 = tpu.vector_load %arg6[%swap3A_172] {strides = array<i32>} : memref<8192xf32, #tpu.memory_space<vmem>>, vector<16xf32>,
      %swap3A_174 = vector.shape_cast %swap3A_173 : vector<16xf32> to vector<16xf32>
      %swap3A_175 = vector.shape_cast %add3A_171 : vector<16xf32> to vector<16xf32>
      tpu.vector_store %arg6[%swap3A_172], %swap3A_175 {strides = array<i32>} : memref<8192xf32, #tpu.memory_space<vmem>>, vector<16xf32>,
      %add3A_176 = arith.constant 80 : i32
      %add3A_177 = arith.addi %mul3A_112, %add3A_176 : i32
      %get3A_178 = arith.index_cast %add3A_177 : i32 to index
      %get3A_179 = tpu.vector_load %arg6[%get3A_178] {strides = array<i32>} : memref<8192xf32, #tpu.memory_space<vmem>>, vector<16xf32>,
      %get3A_180 = vector.shape_cast %get3A_179 : vector<16xf32> to vector<16xf32>
      %get3A_181 = arith.index_cast %add3A_177 : i32 to index
      %get3A_182 = tpu.vector_load %arg13[%get3A_181] {strides = array<i32>} : memref<8192xf32, #tpu.memory_space<vmem>>, vector<16xf32>,
      %get3A_183 = vector.shape_cast %get3A_182 : vector<16xf32> to vector<16xf32>
      %add3A_184 = arith.addf %get3A_180, %get3A_183 : vector<16xf32>
      %swap3A_185 = arith.index_cast %add3A_177 : i32 to index
      %swap3A_186 = tpu.vector_load %arg6[%swap3A_185] {strides = array<i32>} : memref<8192xf32, #tpu.memory_space<vmem>>, vector<16xf32>,
      %swap3A_187 = vector.shape_cast %swap3A_186 : vector<16xf32> to vector<16xf32>
      %swap3A_188 = vector.shape_cast %add3A_184 : vector<16xf32> to vector<16xf32>
      tpu.vector_store %arg6[%swap3A_185], %swap3A_188 {strides = array<i32>} : memref<8192xf32, #tpu.memory_space<vmem>>, vector<16xf32>,
      %add3A_189 = arith.constant 96 : i32
      %add3A_190 = arith.addi %mul3A_112, %add3A_189 : i32
      %get3A_191 = arith.index_cast %add3A_190 : i32 to index
      %get3A_192 = tpu.vector_load %arg6[%get3A_191] {strides = array<i32>} : memref<8192xf32, #tpu.memory_space<vmem>>, vector<16xf32>,
      %get3A_193 = vector.shape_cast %get3A_192 : vector<16xf32> to vector<16xf32>
      %get3A_194 = arith.index_cast %add3A_190 : i32 to index
      %get3A_195 = tpu.vector_load %arg13[%get3A_194] {strides = array<i32>} : memref<8192xf32, #tpu.memory_space<vmem>>, vector<16xf32>,
      %get3A_196 = vector.shape_cast %get3A_195 : vector<16xf32> to vector<16xf32>
      %add3A_197 = arith.addf %get3A_193, %get3A_196 : vector<16xf32>
      %swap3A_198 = arith.index_cast %add3A_190 : i32 to index
      %swap3A_199 = tpu.vector_load %arg6[%swap3A_198] {strides = array<i32>} : memref<8192xf32, #tpu.memory_space<vmem>>, vector<16xf32>,
      %swap3A_200 = vector.shape_cast %swap3A_199 : vector<16xf32> to vector<16xf32>
      %swap3A_201 = vector.shape_cast %add3A_197 : vector<16xf32> to vector<16xf32>
      tpu.vector_store %arg6[%swap3A_198], %swap3A_201 {strides = array<i32>} : memref<8192xf32, #tpu.memory_space<vmem>>, vector<16xf32>,
      %add3A_202 = arith.constant 112 : i32
      %add3A_203 = arith.addi %mul3A_112, %add3A_202 : i32
      %get3A_204 = arith.index_cast %add3A_203 : i32 to index
      %get3A_205 = tpu.vector_load %arg6[%get3A_204] {strides = array<i32>} : memref<8192xf32, #tpu.memory_space<vmem>>, vector<16xf32>,
      %get3A_206 = vector.shape_cast %get3A_205 : vector<16xf32> to vector<16xf32>
      %get3A_207 = arith.index_cast %add3A_203 : i32 to index
      %get3A_208 = tpu.vector_load %arg13[%get3A_207] {strides = array<i32>} : memref<8192xf32, #tpu.memory_space<vmem>>, vector<16xf32>,
      %get3A_209 = vector.shape_cast %get3A_208 : vector<16xf32> to vector<16xf32>
      %add3A_210 = arith.addf %get3A_206, %get3A_209 : vector<16xf32>
      %swap3A_211 = arith.index_cast %add3A_203 : i32 to index
      %swap3A_212 = tpu.vector_load %arg6[%swap3A_211] {strides = array<i32>} : memref<8192xf32, #tpu.memory_space<vmem>>, vector<16xf32>,
      %swap3A_213 = vector.shape_cast %swap3A_212 : vector<16xf32> to vector<16xf32>
      %swap3A_214 = vector.shape_cast %add3A_210 : vector<16xf32> to vector<16xf32>
      tpu.vector_store %arg6[%swap3A_211], %swap3A_214 {strides = array<i32>} : memref<8192xf32, #tpu.memory_space<vmem>>, vector<16xf32>,
    }
    %scan3A_57 = arith.constant 64 : i32
    %add3A_58 = arith.constant 262144 : i32
    %add3A_59 = arith.addi %add3A_58, %mul3A_4 : i32
    %add3A_60 = arith.constant 0 : i32
    %add3A_61 = arith.addi %add3A_59, %add3A_60 : i32
    %dma_start3A_62 = tpu.memref_slice %arg4[%add3A_61] : memref<1048576xf32, #tpu.memory_space<hbm>> -> memref<8192xf32, #tpu.memory_space<hbm>>
    %dma_start3A_63 = tpu.memref_slice %arg4[%add3A_61] : memref<1048576xf32, #tpu.memory_space<hbm>> -> memref<8192xf32, #tpu.memory_space<hbm>>
    tpu.enqueue_dma source(%arg6 : memref<8192xf32, #tpu.memory_space<vmem>>) target(%dma_start3A_63 : memref<8192xf32, #tpu.memory_space<hbm>>) target_semaphore(%arg24 : memref<!tpu.dma_semaphore, #tpu.memory_space<semaphore_mem>>)
    %dma_wait3A_64 = arith.constant 0 : i32
    %dma_wait3A_65 = tpu.memref_slice %arg2[%dma_wait3A_64] : memref<1048576xf32, #tpu.memory_space<hbm>> -> memref<8192xf32, #tpu.memory_space<hbm>>
    %dma_wait3A_66 = arith.constant 0 : i32
    %dma_wait3A_67 = tpu.memref_slice %arg2[%dma_wait3A_66] : memref<1048576xf32, #tpu.memory_space<hbm>> -> memref<8192xf32, #tpu.memory_space<hbm>>
    tpu.wait_dma2 semaphore(%arg17 : memref<!tpu.dma_semaphore, #tpu.memory_space<semaphore_mem>>) src(%dma_wait3A_67 : memref<8192xf32, #tpu.memory_space<hbm>>) dst(%arg7 : memref<8192xf32, #tpu.memory_space<vmem>>)
    %scan3A_68 = arith.constant 0 : i32
    %scan3A_69 = arith.constant 64 : i32
    %scan3A_70 = arith.addi %scan3A_68, %scan3A_69 : i32
    %scan3A_71 = arith.constant 1 : i32
    scf.for %scan3A_110 = %scan3A_68 to %scan3A_70 step %scan3A_71  : i32 {
      %mul3A_111 = arith.constant 128 : i32
      %mul3A_112 = arith.muli %scan3A_110, %mul3A_111 : i32
      %add3A_113 = arith.constant 0 : i32
      %add3A_114 = arith.addi %mul3A_112, %add3A_113 : i32
      %get3A = arith.index_cast %add3A_114 : i32 to index
      %get3A_115 = tpu.vector_load %arg7[%get3A] {strides = array<i32>} : memref<8192xf32, #tpu.memory_space<vmem>>, vector<16xf32>,
      %get3A_116 = vector.shape_cast %get3A_115 : vector<16xf32> to vector<16xf32>
      %get3A_117 = arith.index_cast %add3A_114 : i32 to index
      %get3A_118 = tpu.vector_load %arg13[%get3A_117] {strides = array<i32>} : memref<8192xf32, #tpu.memory_space<vmem>>, vector<16xf32>,
      %get3A_119 = vector.shape_cast %get3A_118 : vector<16xf32> to vector<16xf32>
      %add3A_120 = arith.addf %get3A_116, %get3A_119 : vector<16xf32>
      %swap3A = arith.index_cast %add3A_114 : i32 to index
      %swap3A_121 = tpu.vector_load %arg7[%swap3A] {strides = array<i32>} : memref<8192xf32, #tpu.memory_space<vmem>>, vector<16xf32>,
      %swap3A_122 = vector.shape_cast %swap3A_121 : vector<16xf32> to vector<16xf32>
      %swap3A_123 = vector.shape_cast %add3A_120 : vector<16xf32> to vector<16xf32>
      tpu.vector_store %arg7[%swap3A], %swap3A_123 {strides = array<i32>} : memref<8192xf32, #tpu.memory_space<vmem>>, vector<16xf32>,
      %add3A_124 = arith.constant 16 : i32
      %add3A_125 = arith.addi %mul3A_112, %add3A_124 : i32
      %get3A_126 = arith.index_cast %add3A_125 : i32 to index
      %get3A_127 = tpu.vector_load %arg7[%get3A_126] {strides = array<i32>} : memref<8192xf32, #tpu.memory_space<vmem>>, vector<16xf32>,
      %get3A_128 = vector.shape_cast %get3A_127 : vector<16xf32> to vector<16xf32>
      %get3A_129 = arith.index_cast %add3A_125 : i32 to index
      %get3A_130 = tpu.vector_load %arg13[%get3A_129] {strides = array<i32>} : memref<8192xf32, #tpu.memory_space<vmem>>, vector<16xf32>,
      %get3A_131 = vector.shape_cast %get3A_130 : vector<16xf32> to vector<16xf32>
      %add3A_132 = arith.addf %get3A_128, %get3A_131 : vector<16xf32>
      %swap3A_133 = arith.index_cast %add3A_125 : i32 to index
      %swap3A_134 = tpu.vector_load %arg7[%swap3A_133] {strides = array<i32>} : memref<8192xf32, #tpu.memory_space<vmem>>, vector<16xf32>,
      %swap3A_135 = vector.shape_cast %swap3A_134 : vector<16xf32> to vector<16xf32>
      %swap3A_136 = vector.shape_cast %add3A_132 : vector<16xf32> to vector<16xf32>
      tpu.vector_store %arg7[%swap3A_133], %swap3A_136 {strides = array<i32>} : memref<8192xf32, #tpu.memory_space<vmem>>, vector<16xf32>,
      %add3A_137 = arith.constant 32 : i32
      %add3A_138 = arith.addi %mul3A_112, %add3A_137 : i32
      %get3A_139 = arith.index_cast %add3A_138 : i32 to index
      %get3A_140 = tpu.vector_load %arg7[%get3A_139] {strides = array<i32>} : memref<8192xf32, #tpu.memory_space<vmem>>, vector<16xf32>,
      %get3A_141 = vector.shape_cast %get3A_140 : vector<16xf32> to vector<16xf32>
      %get3A_142 = arith.index_cast %add3A_138 : i32 to index
      %get3A_143 = tpu.vector_load %arg13[%get3A_142] {strides = array<i32>} : memref<8192xf32, #tpu.memory_space<vmem>>, vector<16xf32>,
      %get3A_144 = vector.shape_cast %get3A_143 : vector<16xf32> to vector<16xf32>
      %add3A_145 = arith.addf %get3A_141, %get3A_144 : vector<16xf32>
      %swap3A_146 = arith.index_cast %add3A_138 : i32 to index
      %swap3A_147 = tpu.vector_load %arg7[%swap3A_146] {strides = array<i32>} : memref<8192xf32, #tpu.memory_space<vmem>>, vector<16xf32>,
      %swap3A_148 = vector.shape_cast %swap3A_147 : vector<16xf32> to vector<16xf32>
      %swap3A_149 = vector.shape_cast %add3A_145 : vector<16xf32> to vector<16xf32>
      tpu.vector_store %arg7[%swap3A_146], %swap3A_149 {strides = array<i32>} : memref<8192xf32, #tpu.memory_space<vmem>>, vector<16xf32>,
      %add3A_150 = arith.constant 48 : i32
      %add3A_151 = arith.addi %mul3A_112, %add3A_150 : i32
      %get3A_152 = arith.index_cast %add3A_151 : i32 to index
      %get3A_153 = tpu.vector_load %arg7[%get3A_152] {strides = array<i32>} : memref<8192xf32, #tpu.memory_space<vmem>>, vector<16xf32>,
      %get3A_154 = vector.shape_cast %get3A_153 : vector<16xf32> to vector<16xf32>
      %get3A_155 = arith.index_cast %add3A_151 : i32 to index
      %get3A_156 = tpu.vector_load %arg13[%get3A_155] {strides = array<i32>} : memref<8192xf32, #tpu.memory_space<vmem>>, vector<16xf32>,
      %get3A_157 = vector.shape_cast %get3A_156 : vector<16xf32> to vector<16xf32>
      %add3A_158 = arith.addf %get3A_154, %get3A_157 : vector<16xf32>
      %swap3A_159 = arith.index_cast %add3A_151 : i32 to index
      %swap3A_160 = tpu.vector_load %arg7[%swap3A_159] {strides = array<i32>} : memref<8192xf32, #tpu.memory_space<vmem>>, vector<16xf32>,
      %swap3A_161 = vector.shape_cast %swap3A_160 : vector<16xf32> to vector<16xf32>
      %swap3A_162 = vector.shape_cast %add3A_158 : vector<16xf32> to vector<16xf32>
      tpu.vector_store %arg7[%swap3A_159], %swap3A_162 {strides = array<i32>} : memref<8192xf32, #tpu.memory_space<vmem>>, vector<16xf32>,
      %add3A_163 = arith.constant 64 : i32
      %add3A_164 = arith.addi %mul3A_112, %add3A_163 : i32
      %get3A_165 = arith.index_cast %add3A_164 : i32 to index
      %get3A_166 = tpu.vector_load %arg7[%get3A_165] {strides = array<i32>} : memref<8192xf32, #tpu.memory_space<vmem>>, vector<16xf32>,
      %get3A_167 = vector.shape_cast %get3A_166 : vector<16xf32> to vector<16xf32>
      %get3A_168 = arith.index_cast %add3A_164 : i32 to index
      %get3A_169 = tpu.vector_load %arg13[%get3A_168] {strides = array<i32>} : memref<8192xf32, #tpu.memory_space<vmem>>, vector<16xf32>,
      %get3A_170 = vector.shape_cast %get3A_169 : vector<16xf32> to vector<16xf32>
      %add3A_171 = arith.addf %get3A_167, %get3A_170 : vector<16xf32>
      %swap3A_172 = arith.index_cast %add3A_164 : i32 to index
      %swap3A_173 = tpu.vector_load %arg7[%swap3A_172] {strides = array<i32>} : memref<8192xf32, #tpu.memory_space<vmem>>, vector<16xf32>,
      %swap3A_174 = vector.shape_cast %swap3A_173 : vector<16xf32> to vector<16xf32>
      %swap3A_175 = vector.shape_cast %add3A_171 : vector<16xf32> to vector<16xf32>
      tpu.vector_store %arg7[%swap3A_172], %swap3A_175 {strides = array<i32>} : memref<8192xf32, #tpu.memory_space<vmem>>, vector<16xf32>,
      %add3A_176 = arith.constant 80 : i32
      %add3A_177 = arith.addi %mul3A_112, %add3A_176 : i32
      %get3A_178 = arith.index_cast %add3A_177 : i32 to index
      %get3A_179 = tpu.vector_load %arg7[%get3A_178] {strides = array<i32>} : memref<8192xf32, #tpu.memory_space<vmem>>, vector<16xf32>,
      %get3A_180 = vector.shape_cast %get3A_179 : vector<16xf32> to vector<16xf32>
      %get3A_181 = arith.index_cast %add3A_177 : i32 to index
      %get3A_182 = tpu.vector_load %arg13[%get3A_181] {strides = array<i32>} : memref<8192xf32, #tpu.memory_space<vmem>>, vector<16xf32>,
      %get3A_183 = vector.shape_cast %get3A_182 : vector<16xf32> to vector<16xf32>
      %add3A_184 = arith.addf %get3A_180, %get3A_183 : vector<16xf32>
      %swap3A_185 = arith.index_cast %add3A_177 : i32 to index
      %swap3A_186 = tpu.vector_load %arg7[%swap3A_185] {strides = array<i32>} : memref<8192xf32, #tpu.memory_space<vmem>>, vector<16xf32>,
      %swap3A_187 = vector.shape_cast %swap3A_186 : vector<16xf32> to vector<16xf32>
      %swap3A_188 = vector.shape_cast %add3A_184 : vector<16xf32> to vector<16xf32>
      tpu.vector_store %arg7[%swap3A_185], %swap3A_188 {strides = array<i32>} : memref<8192xf32, #tpu.memory_space<vmem>>, vector<16xf32>,
      %add3A_189 = arith.constant 96 : i32
      %add3A_190 = arith.addi %mul3A_112, %add3A_189 : i32
      %get3A_191 = arith.index_cast %add3A_190 : i32 to index
      %get3A_192 = tpu.vector_load %arg7[%get3A_191] {strides = array<i32>} : memref<8192xf32, #tpu.memory_space<vmem>>, vector<16xf32>,
      %get3A_193 = vector.shape_cast %get3A_192 : vector<16xf32> to vector<16xf32>
      %get3A_194 = arith.index_cast %add3A_190 : i32 to index
      %get3A_195 = tpu.vector_load %arg13[%get3A_194] {strides = array<i32>} : memref<8192xf32, #tpu.memory_space<vmem>>, vector<16xf32>,
      %get3A_196 = vector.shape_cast %get3A_195 : vector<16xf32> to vector<16xf32>
      %add3A_197 = arith.addf %get3A_193, %get3A_196 : vector<16xf32>
      %swap3A_198 = arith.index_cast %add3A_190 : i32 to index
      %swap3A_199 = tpu.vector_load %arg7[%swap3A_198] {strides = array<i32>} : memref<8192xf32, #tpu.memory_space<vmem>>, vector<16xf32>,
      %swap3A_200 = vector.shape_cast %swap3A_199 : vector<16xf32> to vector<16xf32>
      %swap3A_201 = vector.shape_cast %add3A_197 : vector<16xf32> to vector<16xf32>
      tpu.vector_store %arg7[%swap3A_198], %swap3A_201 {strides = array<i32>} : memref<8192xf32, #tpu.memory_space<vmem>>, vector<16xf32>,
      %add3A_202 = arith.constant 112 : i32
      %add3A_203 = arith.addi %mul3A_112, %add3A_202 : i32
      %get3A_204 = arith.index_cast %add3A_203 : i32 to index
      %get3A_205 = tpu.vector_load %arg7[%get3A_204] {strides = array<i32>} : memref<8192xf32, #tpu.memory_space<vmem>>, vector<16xf32>,
      %get3A_206 = vector.shape_cast %get3A_205 : vector<16xf32> to vector<16xf32>
      %get3A_207 = arith.index_cast %add3A_203 : i32 to index
      %get3A_208 = tpu.vector_load %arg13[%get3A_207] {strides = array<i32>} : memref<8192xf32, #tpu.memory_space<vmem>>, vector<16xf32>,
      %get3A_209 = vector.shape_cast %get3A_208 : vector<16xf32> to vector<16xf32>
      %add3A_210 = arith.addf %get3A_206, %get3A_209 : vector<16xf32>
      %swap3A_211 = arith.index_cast %add3A_203 : i32 to index
      %swap3A_212 = tpu.vector_load %arg7[%swap3A_211] {strides = array<i32>} : memref<8192xf32, #tpu.memory_space<vmem>>, vector<16xf32>,
      %swap3A_213 = vector.shape_cast %swap3A_212 : vector<16xf32> to vector<16xf32>
      %swap3A_214 = vector.shape_cast %add3A_210 : vector<16xf32> to vector<16xf32>
      tpu.vector_store %arg7[%swap3A_211], %swap3A_214 {strides = array<i32>} : memref<8192xf32, #tpu.memory_space<vmem>>, vector<16xf32>,
    }
    %scan3A_72 = arith.constant 64 : i32
    %add3A_73 = arith.constant 524288 : i32
    %add3A_74 = arith.addi %add3A_73, %mul3A_4 : i32
    %add3A_75 = arith.constant 0 : i32
    %add3A_76 = arith.addi %add3A_74, %add3A_75 : i32
    %dma_start3A_77 = tpu.memref_slice %arg4[%add3A_76] : memref<1048576xf32, #tpu.memory_space<hbm>> -> memref<8192xf32, #tpu.memory_space<hbm>>
    %dma_start3A_78 = tpu.memref_slice %arg4[%add3A_76] : memref<1048576xf32, #tpu.memory_space<hbm>> -> memref<8192xf32, #tpu.memory_space<hbm>>
    tpu.enqueue_dma source(%arg7 : memref<8192xf32, #tpu.memory_space<vmem>>) target(%dma_start3A_78 : memref<8192xf32, #tpu.memory_space<hbm>>) target_semaphore(%arg25 : memref<!tpu.dma_semaphore, #tpu.memory_space<semaphore_mem>>)
    %dma_wait3A_79 = arith.constant 0 : i32
    %dma_wait3A_80 = tpu.memref_slice %arg2[%dma_wait3A_79] : memref<1048576xf32, #tpu.memory_space<hbm>> -> memref<8192xf32, #tpu.memory_space<hbm>>
    %dma_wait3A_81 = arith.constant 0 : i32
    %dma_wait3A_82 = tpu.memref_slice %arg2[%dma_wait3A_81] : memref<1048576xf32, #tpu.memory_space<hbm>> -> memref<8192xf32, #tpu.memory_space<hbm>>
    tpu.wait_dma2 semaphore(%arg18 : memref<!tpu.dma_semaphore, #tpu.memory_space<semaphore_mem>>) src(%dma_wait3A_82 : memref<8192xf32, #tpu.memory_space<hbm>>) dst(%arg8 : memref<8192xf32, #tpu.memory_space<vmem>>)
    %scan3A_83 = arith.constant 0 : i32
    %scan3A_84 = arith.constant 64 : i32
    %scan3A_85 = arith.addi %scan3A_83, %scan3A_84 : i32
    %scan3A_86 = arith.constant 1 : i32
    scf.for %scan3A_110 = %scan3A_83 to %scan3A_85 step %scan3A_86  : i32 {
      %mul3A_111 = arith.constant 128 : i32
      %mul3A_112 = arith.muli %scan3A_110, %mul3A_111 : i32
      %add3A_113 = arith.constant 0 : i32
      %add3A_114 = arith.addi %mul3A_112, %add3A_113 : i32
      %get3A = arith.index_cast %add3A_114 : i32 to index
      %get3A_115 = tpu.vector_load %arg8[%get3A] {strides = array<i32>} : memref<8192xf32, #tpu.memory_space<vmem>>, vector<16xf32>,
      %get3A_116 = vector.shape_cast %get3A_115 : vector<16xf32> to vector<16xf32>
      %get3A_117 = arith.index_cast %add3A_114 : i32 to index
      %get3A_118 = tpu.vector_load %arg13[%get3A_117] {strides = array<i32>} : memref<8192xf32, #tpu.memory_space<vmem>>, vector<16xf32>,
      %get3A_119 = vector.shape_cast %get3A_118 : vector<16xf32> to vector<16xf32>
      %add3A_120 = arith.addf %get3A_116, %get3A_119 : vector<16xf32>
      %swap3A = arith.index_cast %add3A_114 : i32 to index
      %swap3A_121 = tpu.vector_load %arg8[%swap3A] {strides = array<i32>} : memref<8192xf32, #tpu.memory_space<vmem>>, vector<16xf32>,
      %swap3A_122 = vector.shape_cast %swap3A_121 : vector<16xf32> to vector<16xf32>
      %swap3A_123 = vector.shape_cast %add3A_120 : vector<16xf32> to vector<16xf32>
      tpu.vector_store %arg8[%swap3A], %swap3A_123 {strides = array<i32>} : memref<8192xf32, #tpu.memory_space<vmem>>, vector<16xf32>,
      %add3A_124 = arith.constant 16 : i32
      %add3A_125 = arith.addi %mul3A_112, %add3A_124 : i32
      %get3A_126 = arith.index_cast %add3A_125 : i32 to index
      %get3A_127 = tpu.vector_load %arg8[%get3A_126] {strides = array<i32>} : memref<8192xf32, #tpu.memory_space<vmem>>, vector<16xf32>,
      %get3A_128 = vector.shape_cast %get3A_127 : vector<16xf32> to vector<16xf32>
      %get3A_129 = arith.index_cast %add3A_125 : i32 to index
      %get3A_130 = tpu.vector_load %arg13[%get3A_129] {strides = array<i32>} : memref<8192xf32, #tpu.memory_space<vmem>>, vector<16xf32>,
      %get3A_131 = vector.shape_cast %get3A_130 : vector<16xf32> to vector<16xf32>
      %add3A_132 = arith.addf %get3A_128, %get3A_131 : vector<16xf32>
      %swap3A_133 = arith.index_cast %add3A_125 : i32 to index
      %swap3A_134 = tpu.vector_load %arg8[%swap3A_133] {strides = array<i32>} : memref<8192xf32, #tpu.memory_space<vmem>>, vector<16xf32>,
      %swap3A_135 = vector.shape_cast %swap3A_134 : vector<16xf32> to vector<16xf32>
      %swap3A_136 = vector.shape_cast %add3A_132 : vector<16xf32> to vector<16xf32>
      tpu.vector_store %arg8[%swap3A_133], %swap3A_136 {strides = array<i32>} : memref<8192xf32, #tpu.memory_space<vmem>>, vector<16xf32>,
      %add3A_137 = arith.constant 32 : i32
      %add3A_138 = arith.addi %mul3A_112, %add3A_137 : i32
      %get3A_139 = arith.index_cast %add3A_138 : i32 to index
      %get3A_140 = tpu.vector_load %arg8[%get3A_139] {strides = array<i32>} : memref<8192xf32, #tpu.memory_space<vmem>>, vector<16xf32>,
      %get3A_141 = vector.shape_cast %get3A_140 : vector<16xf32> to vector<16xf32>
      %get3A_142 = arith.index_cast %add3A_138 : i32 to index
      %get3A_143 = tpu.vector_load %arg13[%get3A_142] {strides = array<i32>} : memref<8192xf32, #tpu.memory_space<vmem>>, vector<16xf32>,
      %get3A_144 = vector.shape_cast %get3A_143 : vector<16xf32> to vector<16xf32>
      %add3A_145 = arith.addf %get3A_141, %get3A_144 : vector<16xf32>
      %swap3A_146 = arith.index_cast %add3A_138 : i32 to index
      %swap3A_147 = tpu.vector_load %arg8[%swap3A_146] {strides = array<i32>} : memref<8192xf32, #tpu.memory_space<vmem>>, vector<16xf32>,
      %swap3A_148 = vector.shape_cast %swap3A_147 : vector<16xf32> to vector<16xf32>
      %swap3A_149 = vector.shape_cast %add3A_145 : vector<16xf32> to vector<16xf32>
      tpu.vector_store %arg8[%swap3A_146], %swap3A_149 {strides = array<i32>} : memref<8192xf32, #tpu.memory_space<vmem>>, vector<16xf32>,
      %add3A_150 = arith.constant 48 : i32
      %add3A_151 = arith.addi %mul3A_112, %add3A_150 : i32
      %get3A_152 = arith.index_cast %add3A_151 : i32 to index
      %get3A_153 = tpu.vector_load %arg8[%get3A_152] {strides = array<i32>} : memref<8192xf32, #tpu.memory_space<vmem>>, vector<16xf32>,
      %get3A_154 = vector.shape_cast %get3A_153 : vector<16xf32> to vector<16xf32>
      %get3A_155 = arith.index_cast %add3A_151 : i32 to index
      %get3A_156 = tpu.vector_load %arg13[%get3A_155] {strides = array<i32>} : memref<8192xf32, #tpu.memory_space<vmem>>, vector<16xf32>,
      %get3A_157 = vector.shape_cast %get3A_156 : vector<16xf32> to vector<16xf32>
      %add3A_158 = arith.addf %get3A_154, %get3A_157 : vector<16xf32>
      %swap3A_159 = arith.index_cast %add3A_151 : i32 to index
      %swap3A_160 = tpu.vector_load %arg8[%swap3A_159] {strides = array<i32>} : memref<8192xf32, #tpu.memory_space<vmem>>, vector<16xf32>,
      %swap3A_161 = vector.shape_cast %swap3A_160 : vector<16xf32> to vector<16xf32>
      %swap3A_162 = vector.shape_cast %add3A_158 : vector<16xf32> to vector<16xf32>
      tpu.vector_store %arg8[%swap3A_159], %swap3A_162 {strides = array<i32>} : memref<8192xf32, #tpu.memory_space<vmem>>, vector<16xf32>,
      %add3A_163 = arith.constant 64 : i32
      %add3A_164 = arith.addi %mul3A_112, %add3A_163 : i32
      %get3A_165 = arith.index_cast %add3A_164 : i32 to index
      %get3A_166 = tpu.vector_load %arg8[%get3A_165] {strides = array<i32>} : memref<8192xf32, #tpu.memory_space<vmem>>, vector<16xf32>,
      %get3A_167 = vector.shape_cast %get3A_166 : vector<16xf32> to vector<16xf32>
      %get3A_168 = arith.index_cast %add3A_164 : i32 to index
      %get3A_169 = tpu.vector_load %arg13[%get3A_168] {strides = array<i32>} : memref<8192xf32, #tpu.memory_space<vmem>>, vector<16xf32>,
      %get3A_170 = vector.shape_cast %get3A_169 : vector<16xf32> to vector<16xf32>
      %add3A_171 = arith.addf %get3A_167, %get3A_170 : vector<16xf32>
      %swap3A_172 = arith.index_cast %add3A_164 : i32 to index
      %swap3A_173 = tpu.vector_load %arg8[%swap3A_172] {strides = array<i32>} : memref<8192xf32, #tpu.memory_space<vmem>>, vector<16xf32>,
      %swap3A_174 = vector.shape_cast %swap3A_173 : vector<16xf32> to vector<16xf32>
      %swap3A_175 = vector.shape_cast %add3A_171 : vector<16xf32> to vector<16xf32>
      tpu.vector_store %arg8[%swap3A_172], %swap3A_175 {strides = array<i32>} : memref<8192xf32, #tpu.memory_space<vmem>>, vector<16xf32>,
      %add3A_176 = arith.constant 80 : i32
      %add3A_177 = arith.addi %mul3A_112, %add3A_176 : i32
      %get3A_178 = arith.index_cast %add3A_177 : i32 to index
      %get3A_179 = tpu.vector_load %arg8[%get3A_178] {strides = array<i32>} : memref<8192xf32, #tpu.memory_space<vmem>>, vector<16xf32>,
      %get3A_180 = vector.shape_cast %get3A_179 : vector<16xf32> to vector<16xf32>
      %get3A_181 = arith.index_cast %add3A_177 : i32 to index
      %get3A_182 = tpu.vector_load %arg13[%get3A_181] {strides = array<i32>} : memref<8192xf32, #tpu.memory_space<vmem>>, vector<16xf32>,
      %get3A_183 = vector.shape_cast %get3A_182 : vector<16xf32> to vector<16xf32>
      %add3A_184 = arith.addf %get3A_180, %get3A_183 : vector<16xf32>
      %swap3A_185 = arith.index_cast %add3A_177 : i32 to index
      %swap3A_186 = tpu.vector_load %arg8[%swap3A_185] {strides = array<i32>} : memref<8192xf32, #tpu.memory_space<vmem>>, vector<16xf32>,
      %swap3A_187 = vector.shape_cast %swap3A_186 : vector<16xf32> to vector<16xf32>
      %swap3A_188 = vector.shape_cast %add3A_184 : vector<16xf32> to vector<16xf32>
      tpu.vector_store %arg8[%swap3A_185], %swap3A_188 {strides = array<i32>} : memref<8192xf32, #tpu.memory_space<vmem>>, vector<16xf32>,
      %add3A_189 = arith.constant 96 : i32
      %add3A_190 = arith.addi %mul3A_112, %add3A_189 : i32
      %get3A_191 = arith.index_cast %add3A_190 : i32 to index
      %get3A_192 = tpu.vector_load %arg8[%get3A_191] {strides = array<i32>} : memref<8192xf32, #tpu.memory_space<vmem>>, vector<16xf32>,
      %get3A_193 = vector.shape_cast %get3A_192 : vector<16xf32> to vector<16xf32>
      %get3A_194 = arith.index_cast %add3A_190 : i32 to index
      %get3A_195 = tpu.vector_load %arg13[%get3A_194] {strides = array<i32>} : memref<8192xf32, #tpu.memory_space<vmem>>, vector<16xf32>,
      %get3A_196 = vector.shape_cast %get3A_195 : vector<16xf32> to vector<16xf32>
      %add3A_197 = arith.addf %get3A_193, %get3A_196 : vector<16xf32>
      %swap3A_198 = arith.index_cast %add3A_190 : i32 to index
      %swap3A_199 = tpu.vector_load %arg8[%swap3A_198] {strides = array<i32>} : memref<8192xf32, #tpu.memory_space<vmem>>, vector<16xf32>,
      %swap3A_200 = vector.shape_cast %swap3A_199 : vector<16xf32> to vector<16xf32>
      %swap3A_201 = vector.shape_cast %add3A_197 : vector<16xf32> to vector<16xf32>
      tpu.vector_store %arg8[%swap3A_198], %swap3A_201 {strides = array<i32>} : memref<8192xf32, #tpu.memory_space<vmem>>, vector<16xf32>,
      %add3A_202 = arith.constant 112 : i32
      %add3A_203 = arith.addi %mul3A_112, %add3A_202 : i32
      %get3A_204 = arith.index_cast %add3A_203 : i32 to index
      %get3A_205 = tpu.vector_load %arg8[%get3A_204] {strides = array<i32>} : memref<8192xf32, #tpu.memory_space<vmem>>, vector<16xf32>,
      %get3A_206 = vector.shape_cast %get3A_205 : vector<16xf32> to vector<16xf32>
      %get3A_207 = arith.index_cast %add3A_203 : i32 to index
      %get3A_208 = tpu.vector_load %arg13[%get3A_207] {strides = array<i32>} : memref<8192xf32, #tpu.memory_space<vmem>>, vector<16xf32>,
      %get3A_209 = vector.shape_cast %get3A_208 : vector<16xf32> to vector<16xf32>
      %add3A_210 = arith.addf %get3A_206, %get3A_209 : vector<16xf32>
      %swap3A_211 = arith.index_cast %add3A_203 : i32 to index
      %swap3A_212 = tpu.vector_load %arg8[%swap3A_211] {strides = array<i32>} : memref<8192xf32, #tpu.memory_space<vmem>>, vector<16xf32>,
      %swap3A_213 = vector.shape_cast %swap3A_212 : vector<16xf32> to vector<16xf32>
      %swap3A_214 = vector.shape_cast %add3A_210 : vector<16xf32> to vector<16xf32>
      tpu.vector_store %arg8[%swap3A_211], %swap3A_214 {strides = array<i32>} : memref<8192xf32, #tpu.memory_space<vmem>>, vector<16xf32>,
    }
    %scan3A_87 = arith.constant 64 : i32
    %add3A_88 = arith.constant 786432 : i32
    %add3A_89 = arith.addi %add3A_88, %mul3A_4 : i32
    %add3A_90 = arith.constant 0 : i32
    %add3A_91 = arith.addi %add3A_89, %add3A_90 : i32
    %dma_start3A_92 = tpu.memref_slice %arg4[%add3A_91] : memref<1048576xf32, #tpu.memory_space<hbm>> -> memref<8192xf32, #tpu.memory_space<hbm>>
    %dma_start3A_93 = tpu.memref_slice %arg4[%add3A_91] : memref<1048576xf32, #tpu.memory_space<hbm>> -> memref<8192xf32, #tpu.memory_space<hbm>>
    tpu.enqueue_dma source(%arg8 : memref<8192xf32, #tpu.memory_space<vmem>>) target(%dma_start3A_93 : memref<8192xf32, #tpu.memory_space<hbm>>) target_semaphore(%arg26 : memref<!tpu.dma_semaphore, #tpu.memory_space<semaphore_mem>>)
    %dma_wait3A_94 = arith.constant 0 : i32
    %dma_wait3A_95 = tpu.memref_slice %arg2[%dma_wait3A_94] : memref<1048576xf32, #tpu.memory_space<hbm>> -> memref<8192xf32, #tpu.memory_space<hbm>>
    %dma_wait3A_96 = arith.constant 0 : i32
    %dma_wait3A_97 = tpu.memref_slice %arg2[%dma_wait3A_96] : memref<1048576xf32, #tpu.memory_space<hbm>> -> memref<8192xf32, #tpu.memory_space<hbm>>
    tpu.wait_dma2 semaphore(%arg23 : memref<!tpu.dma_semaphore, #tpu.memory_space<semaphore_mem>>) src(%dma_wait3A_97 : memref<8192xf32, #tpu.memory_space<hbm>>) dst(%arg5 : memref<8192xf32, #tpu.memory_space<vmem>>)
    %dma_wait3A_98 = arith.constant 0 : i32
    %dma_wait3A_99 = tpu.memref_slice %arg2[%dma_wait3A_98] : memref<1048576xf32, #tpu.memory_space<hbm>> -> memref<8192xf32, #tpu.memory_space<hbm>>
    %dma_wait3A_100 = arith.constant 0 : i32
    %dma_wait3A_101 = tpu.memref_slice %arg2[%dma_wait3A_100] : memref<1048576xf32, #tpu.memory_space<hbm>> -> memref<8192xf32, #tpu.memory_space<hbm>>
    tpu.wait_dma2 semaphore(%arg24 : memref<!tpu.dma_semaphore, #tpu.memory_space<semaphore_mem>>) src(%dma_wait3A_101 : memref<8192xf32, #tpu.memory_space<hbm>>) dst(%arg6 : memref<8192xf32, #tpu.memory_space<vmem>>)
    %dma_wait3A_102 = arith.constant 0 : i32
    %dma_wait3A_103 = tpu.memref_slice %arg2[%dma_wait3A_102] : memref<1048576xf32, #tpu.memory_space<hbm>> -> memref<8192xf32, #tpu.memory_space<hbm>>
    %dma_wait3A_104 = arith.constant 0 : i32
    %dma_wait3A_105 = tpu.memref_slice %arg2[%dma_wait3A_104] : memref<1048576xf32, #tpu.memory_space<hbm>> -> memref<8192xf32, #tpu.memory_space<hbm>>
    tpu.wait_dma2 semaphore(%arg25 : memref<!tpu.dma_semaphore, #tpu.memory_space<semaphore_mem>>) src(%dma_wait3A_105 : memref<8192xf32, #tpu.memory_space<hbm>>) dst(%arg7 : memref<8192xf32, #tpu.memory_space<vmem>>)
    %dma_wait3A_106 = arith.constant 0 : i32
    %dma_wait3A_107 = tpu.memref_slice %arg2[%dma_wait3A_106] : memref<1048576xf32, #tpu.memory_space<hbm>> -> memref<8192xf32, #tpu.memory_space<hbm>>
    %dma_wait3A_108 = arith.constant 0 : i32
    %dma_wait3A_109 = tpu.memref_slice %arg2[%dma_wait3A_108] : memref<1048576xf32, #tpu.memory_space<hbm>> -> memref<8192xf32, #tpu.memory_space<hbm>>
    tpu.wait_dma2 semaphore(%arg26 : memref<!tpu.dma_semaphore, #tpu.memory_space<semaphore_mem>>) src(%dma_wait3A_109 : memref<8192xf32, #tpu.memory_space<hbm>>) dst(%arg8 : memref<8192xf32, #tpu.memory_space<vmem>>)
    return
  }
}

module attributes {stable_mosaic.version = 14 : i64} {
  func.func @_tc_body(%arg0: i32, %arg1: i32, %arg2: memref<1x496x1024xf32, #tpu.memory_space<vmem>>, %arg3: memref<496x1024xf32, #tpu.memory_space<vmem>>, %arg4: memref<1x496x1024xf32, #tpu.memory_space<vmem>>) attributes {dimension_semantics = [#tpu.dimension_semantics<arbitrary>, #tpu.dimension_semantics<arbitrary>], iteration_bounds = array<i64: 16, 4>, scalar_prefetch = 0 : i64, scratch_operands = 0 : i64, tpu.core_type = #tpu.core_type<tc>, window_params = [{transform_indices = @transform_0, window_bounds = array<i64: 1, 496, 1024>}, {transform_indices = @transform_1, window_bounds = array<i64: 496, 1024>}, {transform_indices = @transform_2, window_bounds = array<i64: 1, 496, 1024>}]} {
    %get3A = arith.constant 0 : index
    %get3A_0 = arith.constant 0 : index
    %get3A_1 = arith.constant 0 : index
    %get3A_2 = vector.load %arg2[%get3A, %get3A_0, %get3A_1] : memref<1x496x1024xf32, #tpu.memory_space<vmem>>, vector<1x496x1024xf32>
    %get3A_3 = arith.constant 0 : index
    %get3A_4 = arith.constant 0 : index
    %get3A_5 = vector.load %arg3[%get3A_3, %get3A_4] : memref<496x1024xf32, #tpu.memory_space<vmem>>, vector<496x1024xf32>
    %broadcast_in_dim3A = vector.shape_cast %get3A_5 : vector<496x1024xf32> to vector<1x496x1024xf32>
    %add3A = arith.addf %get3A_2, %broadcast_in_dim3A : vector<1x496x1024xf32>
    %swap3A = arith.constant 0 : index
    %swap3A_6 = arith.constant 0 : index
    %swap3A_7 = arith.constant 0 : index
    %swap3A_8 = vector.load %arg4[%swap3A, %swap3A_6, %swap3A_7] : memref<1x496x1024xf32, #tpu.memory_space<vmem>>, vector<1x496x1024xf32>
    tpu.vector_store %arg4[%swap3A, %swap3A_6, %swap3A_7], %add3A {strides = array<i32>} : memref<1x496x1024xf32, #tpu.memory_space<vmem>>, vector<1x496x1024xf32>,
    return
  }
  func.func @transform_0(%arg0: i32, %arg1: i32) -> (i32, i32, i32) {
    %c0_i32 = arith.constant 0 : i32
    %c0_i32_0 = arith.constant 0 : i32
    return %arg1, %arg0, %c0_i32 : i32, i32, i32
  }
  func.func @transform_1(%arg0: i32, %arg1: i32) -> (i32, i32) {
    %c0_i32 = arith.constant 0 : i32
    %c0_i32_0 = arith.constant 0 : i32
    return %arg0, %c0_i32 : i32, i32
  }
  func.func @transform_2(%arg0: i32, %arg1: i32) -> (i32, i32, i32) {
    %c0_i32 = arith.constant 0 : i32
    %c0_i32_0 = arith.constant 0 : i32
    return %arg1, %arg0, %c0_i32 : i32, i32, i32
  }
}

</mosaic_0001>

<sc_bundles>
// kernel: _hybrid.4.cloned.1.call-start
scs
__scs_entry_jumppad:
0x0: {  	(pc) =	sbr.rel $0x88, $3  }
0x1: {  	(tag) =	ssettag $0x0;
	lr =	simm.s32 $0x1  }
0x2: {  	[smem:$0x3F9F] =	sst lr;
	_ =	strace $0xD0000000  }
0x3: {  	_ = 	snop  }
0x4: {  	_ = 	snop  }
0x5: {  	_ = 	snop  }
0x6: {  	_ = 	snop  }
0x7: {  	_ = 	snop  }
__scs_overlays_trampoline_lowered:
0x8: {  	[smem:$0x3FAE] =	sst s0  }
0x9: {  	[smem:$0x3FAF] =	sst s1  }
0xa: {  	[smem:$0x3FB0] =	sst s2  }
0xb: {  	[smem:$0x3FB1] =	sst s3  }
0xc: {  	[smem:$0x3FB2] =	sst s4  }
0xd: {  	[smem:$0x3FB3] =	sst s5  }
0xe: {  	[smem:$0x3FB4] =	sst s6  }
0xf: {  	[smem:$0x3FB5] =	sst s7  }
0x10: {  	[smem:$0x3FB6] =	sst s8  }
0x11: {  	[smem:$0x3FB7] =	sst s9;
	s0 =	simm.s32 @!p0 $0x0  }
0x12: {  	s1 =	sld [smem:$0x3F9D];
	s0 =	simm.s32 @p0 $0x1  }
0x13: {  	[smem:$0x3FB8] =	sst s0;
	s0 =	simm.s32 @!p1 $0x0  }
0x14: {  	s2 =	sld [smem:$0x3F9C];
	s0 =	simm.s32 @p1 $0x1  }
0x15: {  	[smem:$0x3FB9] =	sst s0;
	s0 =	simm.s32 @!p2 $0x0  }
0x16: {  	s3 =	sld [smem:$0x3FDB];
	s0 =	simm.s32 @p2 $0x1  }
0x17: {  	s4 =	simm.s32 $0x1BF5;
	[smem:$0x3FBB] =	sst s0  }
0x18: {  	s0 =	sld [smem:$0x3F9E];
	_ =	swait.ge [sflag:s4], $0x0  }
0x19: {  	s7 =	sld [smem:$0x3F9F]  }
0x1a: {  	s8 =	sadd.s32 $0xFFFFE003, lr  }
0x1b: {  	s9 =	sadd.s32 $0xFFFFFEF7, lr;
	s5 =	simm.s32 $0xFFFFFFFF;
	p2 =	slt.u32 s8, $0xFFFFF086  }
0x1c: {  	p1 =	slt.u32 s9, $0xF7A;
	s5 =	simm.s32 @!p2 $0x0  }
0x1d: {  	s5 =	simm.s32 @p1 $0x1;
	p0 =	seq.s32 s7, s2  }
0x1e: {  	s7 =	smul.u32 @!p0 $0xF7A, s2;
	p2 =	seq.s32 @!p0 s5, $0x0  }
0x1f: {  	s9 =	smul.u32 $0xF7A, s1;
	s8 =	simm.s32 @!p0 $0x1BF5;
	p2 =	por !p2, p0  }
0x20: {  	[sflag:s8] =	ssyncset.s32 @!p0 $0xFFFFF086;
	s6 =	sadd.s32 @!p0 s3, s7;
	s7 =	simm.s32 @!p0 $0x108  }
0x21: {  	s3 =	sadd.s32 s3, s9;
	s6 =	sadd.s32 @!p0 $0x88, s6;
	s7 =	simm.s32 @p2 $0x1082  }
0x22: {  	[simem:s7], [sflag:s8] =	dma.local @!p0 [hbm:s6], $0xF7A  }
0x23: {  	s9 =	sor.u32 $0xD0000000, s2;
	s6 =	simm.s32 $0x108;
	_ =	swait.ge @!p0 [sflag:s8], $0x0  }
0x24: {  	s3 =	sadd.s32 $0x88, s3;
	s6 =	simm.s32 @!p1 $0x1082;
	[sflag:s4] =	ssyncset.s32 $0xFFFFF086  }
0x25: {  	[simem:s6], [sflag:s4] =	dma.local [hbm:s3], $0xF7A  }
0x26: {  	[smem:$0x3F9F] =	sst s1;
	(tag) =	ssettag s2;
	_ =	strace s9  }
0x27: {  	s1 =	sld [smem:$0x3FAF]  }
0x28: {  	s2 =	sld [smem:$0x3FB0]  }
0x29: {  	s4 =	sld [smem:$0x3FB2]  }
0x2a: {  	p0 =	seq.s32 s5, $0x0;
	s5 =	sld [smem:$0x3FB3]  }
0x2b: {  	s6 =	sld [smem:$0x3FB4]  }
0x2c: {  	s7 =	sld [smem:$0x3FB5]  }
0x2d: {  	s3 =	simm.s32 $0x108;
	s8 =	sld [smem:$0x3FB6]  }
0x2e: {  	s3 =	simm.s32 @!p0 $0x1082;
	s9 =	sld [smem:$0x3FB7]  }
0x2f: {  	lr =	sadd.s32 s0, s3;
	s0 =	sld [smem:$0x3FAE]  }
0x30: {  	s3 =	sld [smem:$0x3FB1]  }
0x31: {  	[smem:$0x3FBA] =	sst s10  }
0x32: {  	s10 =	sld [smem:$0x3FB8];
	_ =	sdelay $0x3  }
0x33: {  	p0 =	seq.s32 s10, $0x1;
	s10 =	sld [smem:$0x3FBA];
	_ =	sdelay $0x3  }
0x34: {  	[smem:$0x3FBA] =	sst s10  }
0x35: {  	s10 =	sld [smem:$0x3FB9];
	_ =	sdelay $0x3  }
0x36: {  	p1 =	seq.s32 s10, $0x1;
	s10 =	sld [smem:$0x3FBA];
	_ =	sdelay $0x3  }
0x37: {  	[smem:$0x3FBA] =	sst s10  }
0x38: {  	s10 =	sld [smem:$0x3FBB]  }
0x39: {  	_ = 	snop;
	(pc) =	sbr.ind lr, $3  }
0x3a: {  	_ = 	snop  }
0x3b: {  	_ = 	snop  }
0x3c: {  	p2 =	seq.s32 s10, $0x1;
	s10 =	sld [smem:$0x3FBA]  }
0x3d: {  	_ =	shalt  }
0x3e: {  	_ =	shalt  }
0x3f: {  	_ =	shalt  }
0x40: {  	_ =	shalt  }
0x41: {  	_ =	shalt  }
0x42: {  	_ =	shalt  }
0x43: {  	_ =	shalt  }
0x44: {  	_ =	shalt  }
0x45: {  	_ =	shalt  }
0x46: {  	_ =	shalt  }
0x47: {  	_ =	shalt  }
0x48: {  	_ =	shalt  }
0x49: {  	_ =	shalt  }
0x4a: {  	_ =	shalt  }
0x4b: {  	_ =	shalt  }
0x4c: {  	_ =	shalt  }
0x4d: {  	_ =	shalt  }
0x4e: {  	_ =	shalt  }
0x4f: {  	_ =	shalt  }
0x50: {  	_ =	shalt  }
0x51: {  	_ =	shalt  }
0x52: {  	_ =	shalt  }
0x53: {  	_ =	shalt  }
0x54: {  	_ =	shalt  }
0x55: {  	_ =	shalt  }
0x56: {  	_ =	shalt  }
0x57: {  	_ =	shalt  }
0x58: {  	_ =	shalt  }
0x59: {  	_ =	shalt  }
0x5a: {  	_ =	shalt  }
0x5b: {  	_ =	shalt  }
0x5c: {  	_ =	shalt  }
0x5d: {  	_ =	shalt  }
0x5e: {  	_ =	shalt  }
0x5f: {  	_ =	shalt  }
0x60: {  	_ =	shalt  }
0x61: {  	_ =	shalt  }
0x62: {  	_ =	shalt  }
0x63: {  	_ =	shalt  }
0x64: {  	_ =	shalt  }
0x65: {  	_ =	shalt  }
0x66: {  	_ =	shalt  }
0x67: {  	_ =	shalt  }
0x68: {  	_ =	shalt  }
0x69: {  	_ =	shalt  }
0x6a: {  	_ =	shalt  }
0x6b: {  	_ =	shalt  }
0x6c: {  	_ =	shalt  }
0x6d: {  	_ =	shalt  }
0x6e: {  	_ =	shalt  }
0x6f: {  	_ =	shalt  }
0x70: {  	_ =	shalt  }
0x71: {  	_ =	shalt  }
0x72: {  	_ =	shalt  }
0x73: {  	_ =	shalt  }
0x74: {  	_ =	shalt  }
0x75: {  	_ =	shalt  }
0x76: {  	_ =	shalt  }
0x77: {  	_ =	shalt  }
0x78: {  	_ =	shalt  }
0x79: {  	_ =	shalt  }
0x7a: {  	_ =	shalt  }
0x7b: {  	_ =	shalt  }
0x7c: {  	_ =	shalt  }
0x7d: {  	_ =	shalt  }
0x7e: {  	_ =	shalt  }
0x7f: {  	_ =	shalt  }
0x80: {  	_ =	shalt  }
0x81: {  	_ =	shalt  }
0x82: {  	_ =	shalt  }
0x83: {  	_ =	shalt  }
0x84: {  	_ =	shalt  }
0x85: {  	_ =	shalt  }
0x86: {  	_ =	shalt  }
0x87: {  	_ =	shalt  }
.Lfunc_end0:
.L_simem_size_0:
called_computation_lowered:
.L_overlay_start_0:
0x88: {  	s2 =	sld [smem:$0x3FD9]  }
0x89: {  	s3 =	sld [smem:$0x3FFE];
	_ =	sdelay $0x1  }
0x8a: {  	s1 =	srdreg.scid  }
0x8b: {  	s0 =	sand.u32 $0x1, s1  }
0x8c: {  	s16 =	sshll.u32 s0, $0xA;
	s2 =	sadd.s32 s3, s2  }
0x8d: {  	s2 =	sadd.s32 s2, s16  }
0x8e: {  	[smem:$0x3FC6] =	sst s2  }
0x8f: {  	_ = 	snop  }
0x90: {  	(tm) =	ssettm $0x1  }
0x91: {  	s17 =	sld [smem:$0x3FFB];
	_ =	sdelay $0x3  }
0x92: {  	_ =	strace s17  }
0x93: {  	s2 =	sld [smem:$0x3FFC];
	_ =	sdelay $0x3  }
0x94: {  	_ =	strace s2  }
0x95: {  	s2 =	sld [smem:$0x3FFD];
	_ =	sdelay $0x3  }
0x96: {  	_ =	strace s2  }
0x97: {  	_ =	strace $0x8FFFFFFF  }
0x98: {  	s18 =	sld [smem:$0x3FDB];
	_ =	sdelay $0x1  }
0x99: {  	s19 =	simm.s32 $_scs_section_size  }
0x9a: {  	s4 =	simm.s32 $_size__tile_overlayer_lowered;
	s5 =	simm.s32 $_tile_overlayer_lowered  }
0x9b: {  	s22 =	simm.s32 $0x1BFF;
	s21 =	sshll.u32 s5, $0x1;
	s2 =	sadd.s32 s19, s18  }
0x9c: {  	s6 =	simm.s32 $0x0;
	s20 =	sshll.u32 s4, $0x1;
	s4 =	sadd.s32 s21, s2  }
0x9d: {  	[timem:s6], [sflag:s22] =	dma.local [hbm:s4], s20  }
0x9e: {  	_ =	swait.ge [sflag:s22], s20  }
0x9f: {  	s3 =	ssub.s32 $0x0, s20;
	[sflag:s22] =	ssyncset.done $0x0  }
0xa0: {  	[sflag:s22] =	ssyncadd.s32 s3;
	_ =	sdelay $0x1  }
0xa1: {  	s23 =	simm.s32 $0x1B8B  }
0xa2: {  	_ =	swait.ge [sflag:s23], $0x1  }
0xa3: {  	[sflag:s23] =	ssyncset.done $0x0  }
0xa4: {  	s25 =	simm.s32 $0x1B8E;
	s24 =	sld [smem:$0x3FFE];
	[sflag:s23] =	ssyncadd.s32 $0xFFFFFFFF  }
0xa5: {  	s26 =	simm.s32 $execute0_lowered;
	[smem:$0x3FD2] =	sst s25  }
0xa6: {  	s4 =	sshll.u32 s26, $0x1;
	_ =	strace $0x80000046;
	[dreg:$0x1] =	wrdreg $0xFFFFFFFF  }
0xa7: {  	s28 =	simm.s32 $_size_execute0_lowered;
	s2 =	sadd.s32 s2, s4;
	[dreg:$0x0] =	wrdreg $0x0  }
0xa8: {  	s4 =	sshll.u32 s28, $0x1;
	[dreg:$0x2] =	wrdreg s2  }
0xa9: {  	[dreg:$0x3] =	wrdreg s4  }
0xaa: {  	[dreg:$0x4] =	wrdreg $0xC0  }
0xab: {  	_ =	task [dreg:s6], $0x5FFFF  }
0xac: {  	[dreg:$0x1] =	wrdreg $0xFFFFFFFF  }
0xad: {  	[dreg:$0x0] =	wrdreg $0x60  }
0xae: {  	[dreg:$0x2] =	wrdreg s24  }
0xaf: {  	[dreg:$0x3] =	wrdreg $0x9  }
0xb0: {  	_ =	task.clear_ibuf [dreg:s6], $0x4FFFF;
	_ =	strace $0x90000046  }
0xb1: {  	s29 =	simm.s32 $0x9;
	_ =	strace $0x80000048  }
0xb2: {  	_ =	swait.ge [sflag:s29], $0x1  }
0xb3: {  	[sflag:s29] =	ssyncadd.s32 $0xFFFFFFFF  }
0xb4: {  	_ =	strace $0x90000048  }
0xb5: {  	_ =	sfence  }
0xb6: {  	s30 =	sld [smem:$0x0];
	_ =	sdelay $0x2  }
0xb7: {  	s31 =	sshll.u32 s1, $0xD;
	s1 =	sshrl.u32 s1, $0x2  }
0xb8: {  	s3 =	sand.u32 $0x4000, s31;
	s1 =	sadd.s32 s1, s30  }
0xb9: {  	s0 =	sor.u32 s3, s0;
	s1 =	sshll.u32 s1, $0x11  }
0xba: {  	s0 =	sor.u32 s1, s0  }
0xbb: {  	s0 =	sadd.s32 $0x8F2B, s0  }
0xbc: {  	[sflag:s0] =	ssyncadd.remote.s32 $0x1  }
0xbd: {  	_ =	sfence.sel $0xFFFF  }
0xbe: {  	[dreg:$0x0] =	wrdreg $0xFFFFFFFF;
	(pc) =	sbr.abs _section_cstart, $3  }
0xbf: {  	[dreg:$0x1] =	wrdreg $0xFFFFFFFF  }
0xc0: {  	_ =	task.clear_ibuf [dreg:s6], $0x2FFFF;
	_ =	strace $0x9FFFFFFF  }
0xc1: {  	(tm) =	ssettm $0x7FFFFFFF  }
tec
execute0_lowered:
.L_overlay_start_1:
0x0: {  	(tag) =	ssettag $0x1  }
0x1: {  	s3 =	rddreg [dreg:$0x0]  }
0x2: {  	s0 =	rddreg [dreg:$0x1]  }
0x3: {  	s2 =	simm.s32 $0x0;
	s4 =	srdreg.scid;
	s1 =	stileid.u32  }
0x4: {  	s14 =	simm.s32 $0x2000;
	s15 =	simm.s32 $0x4000;
	s16 =	simm.s32 $0x6000  }
0x5: {  	s17 =	simm.s32 $0x9;
	s18 =	simm.s32 $0x1;
	s19 =	simm.s32 $0x2  }
0x6: {  	s20 =	simm.s32 $0x3;
	s21 =	simm.s32 $0x4;
	s22 =	simm.s32 $0x5  }
0x7: {  	s23 =	simm.s32 $0x6;
	s24 =	simm.s32 $0x7;
	s25 =	simm.s32 $0x8  }
0x8: {  	s26 =	simm.s32 $0x0;
	[smem:$0x7FF] =	sst s2;
	s4 =	sand.u32 $0x1, s4  }
0x9: {  	s5 =	sshll.u32 s1, $0xB;
	s7 =	sadd.s32 $0x8400, s3;
	s6 =	sshll.u32 s4, $0xA  }
0xa: {  	s11 =	sadd.s32 $0x28400, s3;
	s4 =	ssub.s32 $0x2, s4;
	s8 =	sor.u32 s6, s5  }
0xb: {  	_ =	strace $0x80000047;
	s31 =	sshrl.u32 s4, $0x1;
	s6 =	sadd.s32 s8, s3  }
0xc: {  	s12 =	ssub.s32 s4, s31;
	s4 =	sadd.s32 s7, s8;
	s9 =	sor.u32 $0x8000, s8  }
0xd: {  	s10 =	sor.u32 $0x10000, s8;
	s13 =	sor.u32 $0x18000, s8;
	s8 =	sadd.s32 s11, s8  }
0xe: {  	s3 =	sadd.s32 $0x400, s6;
	s5 =	sadd.s32 s7, s9;
	s6 =	sadd.s32 s7, s10  }
0xf: {  	s7 =	sadd.s32 s7, s13;
	s9 =	sadd.s32 s11, s9;
	s10 =	sadd.s32 s11, s10  }
0x10: {  	s11 =	sadd.s32 s11, s13;
	s12 =	smax.u32 s12, $0x1;
	s13 =	simm.s32 $0x8000  }
.LBB2_1:
0x11: {  	[tilespmem:s13], [sflag:$0x9] =	stream.linear.gather [hbm4b:s3+s2], $0x2000, $0x38;
	[tilespmem:$0xA000] =	vst v63  }
0x12: {  	_ = 	snop  }
0x13: {  	[tilespmem:s2], [sflag:$0x1] =	stream.linear.gather [hbm4b:s4+s2], $0x2000, $0x38;
	[tilespmem:$0xA000] =	vst v63  }
0x14: {  	_ = 	snop  }
0x15: {  	[tilespmem:s14], [sflag:$0x2] =	stream.linear.gather [hbm4b:s5+s2], $0x2000, $0x38;
	[tilespmem:$0xA000] =	vst v63  }
0x16: {  	_ = 	snop  }
0x17: {  	[tilespmem:s15], [sflag:$0x3] =	stream.linear.gather [hbm4b:s6+s2], $0x2000, $0x38;
	[tilespmem:$0xA000] =	vst v63  }
0x18: {  	_ = 	snop  }
0x19: {  	[tilespmem:s16], [sflag:$0x4] =	stream.linear.gather [hbm4b:s7+s2], $0x2000, $0x38;
	[tilespmem:$0xA000] =	vst v63  }
0x1a: {  	_ =	swait.ge [sflag:s17], $0x2000  }
0x1b: {  	[sflag:s17] =	ssyncset.done $0x0  }
0x1c: {  	[sflag:s17] =	ssyncadd.s32 $0xFFFFE000  }
0x1d: {  	_ =	swait.ge [sflag:s18], $0x2000  }
0x1e: {  	[sflag:s18] =	ssyncset.done $0x0  }
0x1f: {  	s28 =	simm.s32 $0x0;
	[sflag:s18] =	ssyncadd.s32 $0xFFFFE000  }
0x20: {  	v7 =	vld [tilespmem:s28+$0x8000]  }
0x21: {  	v11 =	vld [tilespmem:s28+$0x8010]  }
0x22: {  	v5 =	vld [tilespmem:s28+$0x8020]  }
0x23: {  	v4 =	vld [tilespmem:s28+$0x8030]  }
0x24: {  	v3 =	vld [tilespmem:s28+$0x8040]  }
0x25: {  	v2 =	vld [tilespmem:s28+$0x8050]  }
0x26: {  	v1 =	vld [tilespmem:s28+$0x8060]  }
0x27: {  	v0 =	vld [tilespmem:s28+$0x8070]  }
0x28: {  	v12 =	vld [tilespmem:s28+$0x0]  }
0x29: {  	v13 =	vld [tilespmem:s28+$0x10]  }
0x2a: {  	v10 =	vld [tilespmem:s28+$0x20]  }
0x2b: {  	v9 =	vld [tilespmem:s28+$0x30]  }
0x2c: {  	v8 =	vld [tilespmem:s28+$0x40]  }
0x2d: {  	v6 =	vld [tilespmem:s28+$0x50];
	v12 =	vadd.f32 v7, v12  }
0x2e: {  	s29 =	simm.s32 $0x200;
	v11 =	vadd.f32 v11, v13;
	v7 =	vld [tilespmem:s28+$0x60]  }
.LBB2_2:
0x2f: {  	s30 =	sshra.s32 s29, $0x2;
	p0 =	sne.s32 s29, $0x7E00;
	[tilespmem:s28+$0x0] =	vst v12;
	v5 =	vadd.f32 v5, v10;
	v10 =	vld [tilespmem:s28+$0x70]  }
0x30: {  	v12 =	vld [tilespmem:s30+$0x8000];
	[tilespmem:s28+$0x10] =	vst v11;
	v4 =	vadd.f32 v4, v9  }
0x31: {  	v11 =	vld [tilespmem:s30+$0x8010];
	[tilespmem:s28+$0x20] =	vst v5;
	v3 =	vadd.f32 v3, v8  }
0x32: {  	v5 =	vld [tilespmem:s30+$0x8020];
	[tilespmem:s28+$0x30] =	vst v4;
	v2 =	vadd.f32 v2, v6  }
0x33: {  	v4 =	vld [tilespmem:s30+$0x8030];
	[tilespmem:s28+$0x40] =	vst v3;
	v1 =	vadd.f32 v1, v7  }
0x34: {  	v3 =	vld [tilespmem:s30+$0x8040];
	[tilespmem:s28+$0x50] =	vst v2;
	v0 =	vadd.f32 v0, v10  }
0x35: {  	v2 =	vld [tilespmem:s30+$0x8050];
	[tilespmem:s28+$0x60] =	vst v1  }
0x36: {  	v1 =	vld [tilespmem:s30+$0x8060];
	[tilespmem:s28+$0x70] =	vst v0;
	s28 =	smov.u32 s30  }
0x37: {  	v0 =	vld [tilespmem:s28+$0x8070]  }
0x38: {  	v6 =	vld [tilespmem:s28+$0x0]  }
0x39: {  	v7 =	vld [tilespmem:s28+$0x10]  }
.Ltmp0:
0x3a: {  	v10 =	vld [tilespmem:s28+$0x20];
	(pc) =	sbr.rel @p0 .LBB2_2-.Ltmp0, $4  }
0x3b: {  	v9 =	vld [tilespmem:s28+$0x30]  }
0x3c: {  	v8 =	vld [tilespmem:s28+$0x40]  }
0x3d: {  	v12 =	vadd.f32 v12, v6;
	v6 =	vld [tilespmem:s28+$0x50]  }
0x3e: {  	s29 =	sadd.s32 $0x200, s29;
	v11 =	vadd.f32 v11, v7;
	v7 =	vld [tilespmem:s28+$0x60]  }
0x3f: {  	[tilespmem:s28+$0x0] =	vst v12;
	v5 =	vadd.f32 v5, v10;
	v10 =	vld [tilespmem:s28+$0x70]  }
0x40: {  	[tilespmem:s28+$0x10] =	vst v11;
	v4 =	vadd.f32 v4, v9  }
0x41: {  	[tilespmem:s28+$0x20] =	vst v5;
	v3 =	vadd.f32 v3, v8  }
0x42: {  	[tilespmem:s28+$0x30] =	vst v4;
	v2 =	vadd.f32 v2, v6  }
0x43: {  	[tilespmem:s28+$0x40] =	vst v3;
	v1 =	vadd.f32 v1, v7  }
0x44: {  	[tilespmem:s28+$0x50] =	vst v2;
	v0 =	vadd.f32 v0, v10  }
0x45: {  	[tilespmem:s28+$0x60] =	vst v1  }
0x46: {  	[tilespmem:s28+$0x70] =	vst v0;
	s28 =	simm.s32 $0x0  }
0x47: {  	[hbm4b:s8+s28] =	stream.linear.scatter [tilespmem:s28], [sflag:$0x5], $0x2000, $0x38;
	[tilespmem:$0xA000] =	vst v63  }
0x48: {  	_ =	swait.ge [sflag:s19], $0x2000  }
0x49: {  	[sflag:s19] =	ssyncset.done $0x0  }
0x4a: {  	s28 =	simm.s32 $0x0;
	[sflag:s19] =	ssyncadd.s32 $0xFFFFE000  }
0x4b: {  	v7 =	vld [tilespmem:s28+$0x8000]  }
0x4c: {  	v11 =	vld [tilespmem:s28+$0x8010]  }
0x4d: {  	v5 =	vld [tilespmem:s28+$0x8020]  }
0x4e: {  	v4 =	vld [tilespmem:s28+$0x8030]  }
0x4f: {  	v3 =	vld [tilespmem:s28+$0x8040]  }
0x50: {  	v2 =	vld [tilespmem:s28+$0x8050]  }
0x51: {  	v1 =	vld [tilespmem:s28+$0x8060]  }
0x52: {  	v0 =	vld [tilespmem:s28+$0x8070]  }
0x53: {  	v12 =	vld [tilespmem:s28+$0x2000]  }
0x54: {  	v13 =	vld [tilespmem:s28+$0x2010]  }
0x55: {  	v10 =	vld [tilespmem:s28+$0x2020]  }
0x56: {  	v9 =	vld [tilespmem:s28+$0x2030]  }
0x57: {  	v8 =	vld [tilespmem:s28+$0x2040]  }
0x58: {  	v6 =	vld [tilespmem:s28+$0x2050];
	v12 =	vadd.f32 v7, v12  }
0x59: {  	s29 =	simm.s32 $0x200;
	v11 =	vadd.f32 v11, v13;
	v7 =	vld [tilespmem:s28+$0x2060]  }
.LBB2_4:
0x5a: {  	s30 =	sshra.s32 s29, $0x2;
	p0 =	sne.s32 s29, $0x7E00;
	[tilespmem:s28+$0x2000] =	vst v12;
	v5 =	vadd.f32 v5, v10;
	v10 =	vld [tilespmem:s28+$0x2070]  }
0x5b: {  	v12 =	vld [tilespmem:s30+$0x8000];
	[tilespmem:s28+$0x2010] =	vst v11;
	v4 =	vadd.f32 v4, v9  }
0x5c: {  	v11 =	vld [tilespmem:s30+$0x8010];
	[tilespmem:s28+$0x2020] =	vst v5;
	v3 =	vadd.f32 v3, v8  }
0x5d: {  	v5 =	vld [tilespmem:s30+$0x8020];
	[tilespmem:s28+$0x2030] =	vst v4;
	v2 =	vadd.f32 v2, v6  }
0x5e: {  	v4 =	vld [tilespmem:s30+$0x8030];
	[tilespmem:s28+$0x2040] =	vst v3;
	v1 =	vadd.f32 v1, v7  }
0x5f: {  	v3 =	vld [tilespmem:s30+$0x8040];
	[tilespmem:s28+$0x2050] =	vst v2;
	v0 =	vadd.f32 v0, v10  }
0x60: {  	v2 =	vld [tilespmem:s30+$0x8050];
	[tilespmem:s28+$0x2060] =	vst v1  }
0x61: {  	v1 =	vld [tilespmem:s30+$0x8060];
	[tilespmem:s28+$0x2070] =	vst v0;
	s28 =	smov.u32 s30  }
0x62: {  	v0 =	vld [tilespmem:s28+$0x8070]  }
0x63: {  	v6 =	vld [tilespmem:s28+$0x2000]  }
0x64: {  	v7 =	vld [tilespmem:s28+$0x2010]  }
.Ltmp1:
0x65: {  	v10 =	vld [tilespmem:s28+$0x2020];
	(pc) =	sbr.rel @p0 .LBB2_4-.Ltmp1, $4  }
0x66: {  	v9 =	vld [tilespmem:s28+$0x2030]  }
0x67: {  	v8 =	vld [tilespmem:s28+$0x2040]  }
0x68: {  	v12 =	vadd.f32 v12, v6;
	v6 =	vld [tilespmem:s28+$0x2050]  }
0x69: {  	s29 =	sadd.s32 $0x200, s29;
	v11 =	vadd.f32 v11, v7;
	v7 =	vld [tilespmem:s28+$0x2060]  }
0x6a: {  	[tilespmem:s28+$0x2000] =	vst v12;
	v5 =	vadd.f32 v5, v10;
	v10 =	vld [tilespmem:s28+$0x2070]  }
0x6b: {  	[tilespmem:s28+$0x2010] =	vst v11;
	v4 =	vadd.f32 v4, v9  }
0x6c: {  	[tilespmem:s28+$0x2020] =	vst v5;
	v3 =	vadd.f32 v3, v8  }
0x6d: {  	[tilespmem:s28+$0x2030] =	vst v4;
	v2 =	vadd.f32 v2, v6  }
0x6e: {  	[tilespmem:s28+$0x2040] =	vst v3;
	v1 =	vadd.f32 v1, v7  }
0x6f: {  	[tilespmem:s28+$0x2050] =	vst v2;
	v0 =	vadd.f32 v0, v10  }
0x70: {  	[tilespmem:s28+$0x2060] =	vst v1  }
0x71: {  	[tilespmem:s28+$0x2070] =	vst v0;
	s28 =	simm.s32 $0x0  }
0x72: {  	[hbm4b:s9+s28] =	stream.linear.scatter [tilespmem:s14], [sflag:$0x6], $0x2000, $0x38;
	[tilespmem:$0xA000] =	vst v63  }
0x73: {  	_ =	swait.ge [sflag:s20], $0x2000  }
0x74: {  	[sflag:s20] =	ssyncset.done $0x0  }
0x75: {  	s28 =	simm.s32 $0x0;
	[sflag:s20] =	ssyncadd.s32 $0xFFFFE000  }
0x76: {  	v7 =	vld [tilespmem:s28+$0x8000]  }
0x77: {  	v11 =	vld [tilespmem:s28+$0x8010]  }
0x78: {  	v5 =	vld [tilespmem:s28+$0x8020]  }
0x79: {  	v4 =	vld [tilespmem:s28+$0x8030]  }
0x7a: {  	v3 =	vld [tilespmem:s28+$0x8040]  }
0x7b: {  	v2 =	vld [tilespmem:s28+$0x8050]  }
0x7c: {  	v1 =	vld [tilespmem:s28+$0x8060]  }
0x7d: {  	v0 =	vld [tilespmem:s28+$0x8070]  }
0x7e: {  	v12 =	vld [tilespmem:s28+$0x4000]  }
0x7f: {  	v13 =	vld [tilespmem:s28+$0x4010]  }
0x80: {  	v10 =	vld [tilespmem:s28+$0x4020]  }
0x81: {  	v9 =	vld [tilespmem:s28+$0x4030]  }
0x82: {  	v8 =	vld [tilespmem:s28+$0x4040]  }
0x83: {  	v6 =	vld [tilespmem:s28+$0x4050];
	v12 =	vadd.f32 v7, v12  }
0x84: {  	s29 =	simm.s32 $0x200;
	v11 =	vadd.f32 v11, v13;
	v7 =	vld [tilespmem:s28+$0x4060]  }
.LBB2_6:
0x85: {  	s30 =	sshra.s32 s29, $0x2;
	p0 =	sne.s32 s29, $0x7E00;
	[tilespmem:s28+$0x4000] =	vst v12;
	v5 =	vadd.f32 v5, v10;
	v10 =	vld [tilespmem:s28+$0x4070]  }
0x86: {  	v12 =	vld [tilespmem:s30+$0x8000];
	[tilespmem:s28+$0x4010] =	vst v11;
	v4 =	vadd.f32 v4, v9  }
0x87: {  	v11 =	vld [tilespmem:s30+$0x8010];
	[tilespmem:s28+$0x4020] =	vst v5;
	v3 =	vadd.f32 v3, v8  }
0x88: {  	v5 =	vld [tilespmem:s30+$0x8020];
	[tilespmem:s28+$0x4030] =	vst v4;
	v2 =	vadd.f32 v2, v6  }
0x89: {  	v4 =	vld [tilespmem:s30+$0x8030];
	[tilespmem:s28+$0x4040] =	vst v3;
	v1 =	vadd.f32 v1, v7  }
0x8a: {  	v3 =	vld [tilespmem:s30+$0x8040];
	[tilespmem:s28+$0x4050] =	vst v2;
	v0 =	vadd.f32 v0, v10  }
0x8b: {  	v2 =	vld [tilespmem:s30+$0x8050];
	[tilespmem:s28+$0x4060] =	vst v1  }
0x8c: {  	v1 =	vld [tilespmem:s30+$0x8060];
	[tilespmem:s28+$0x4070] =	vst v0;
	s28 =	smov.u32 s30  }
0x8d: {  	v0 =	vld [tilespmem:s28+$0x8070]  }
0x8e: {  	v6 =	vld [tilespmem:s28+$0x4000]  }
0x8f: {  	v7 =	vld [tilespmem:s28+$0x4010]  }
.Ltmp2:
0x90: {  	v10 =	vld [tilespmem:s28+$0x4020];
	(pc) =	sbr.rel @p0 .LBB2_6-.Ltmp2, $4  }
0x91: {  	v9 =	vld [tilespmem:s28+$0x4030]  }
0x92: {  	v8 =	vld [tilespmem:s28+$0x4040]  }
0x93: {  	v12 =	vadd.f32 v12, v6;
	v6 =	vld [tilespmem:s28+$0x4050]  }
0x94: {  	s29 =	sadd.s32 $0x200, s29;
	v11 =	vadd.f32 v11, v7;
	v7 =	vld [tilespmem:s28+$0x4060]  }
0x95: {  	[tilespmem:s28+$0x4000] =	vst v12;
	v5 =	vadd.f32 v5, v10;
	v10 =	vld [tilespmem:s28+$0x4070]  }
0x96: {  	[tilespmem:s28+$0x4010] =	vst v11;
	v4 =	vadd.f32 v4, v9  }
0x97: {  	[tilespmem:s28+$0x4020] =	vst v5;
	v3 =	vadd.f32 v3, v8  }
0x98: {  	[tilespmem:s28+$0x4030] =	vst v4;
	v2 =	vadd.f32 v2, v6  }
0x99: {  	[tilespmem:s28+$0x4040] =	vst v3;
	v1 =	vadd.f32 v1, v7  }
0x9a: {  	[tilespmem:s28+$0x4050] =	vst v2;
	v0 =	vadd.f32 v0, v10  }
0x9b: {  	[tilespmem:s28+$0x4060] =	vst v1  }
0x9c: {  	[tilespmem:s28+$0x4070] =	vst v0;
	s28 =	simm.s32 $0x0  }
0x9d: {  	[hbm4b:s10+s28] =	stream.linear.scatter [tilespmem:s15], [sflag:$0x7], $0x2000, $0x38;
	[tilespmem:$0xA000] =	vst v63  }
0x9e: {  	_ =	swait.ge [sflag:s21], $0x2000  }
0x9f: {  	[sflag:s21] =	ssyncset.done $0x0  }
0xa0: {  	s28 =	simm.s32 $0x0;
	[sflag:s21] =	ssyncadd.s32 $0xFFFFE000  }
0xa1: {  	v7 =	vld [tilespmem:s28+$0x8000]  }
0xa2: {  	v11 =	vld [tilespmem:s28+$0x8010]  }
0xa3: {  	v5 =	vld [tilespmem:s28+$0x8020]  }
0xa4: {  	v4 =	vld [tilespmem:s28+$0x8030]  }
0xa5: {  	v3 =	vld [tilespmem:s28+$0x8040]  }
0xa6: {  	v2 =	vld [tilespmem:s28+$0x8050]  }
0xa7: {  	v1 =	vld [tilespmem:s28+$0x8060]  }
0xa8: {  	v0 =	vld [tilespmem:s28+$0x8070]  }
0xa9: {  	v12 =	vld [tilespmem:s28+$0x6000]  }
0xaa: {  	v13 =	vld [tilespmem:s28+$0x6010]  }
0xab: {  	v10 =	vld [tilespmem:s28+$0x6020]  }
0xac: {  	v9 =	vld [tilespmem:s28+$0x6030]  }
0xad: {  	v8 =	vld [tilespmem:s28+$0x6040]  }
0xae: {  	v6 =	vld [tilespmem:s28+$0x6050];
	v12 =	vadd.f32 v7, v12  }
0xaf: {  	s29 =	simm.s32 $0x200;
	v11 =	vadd.f32 v11, v13;
	v7 =	vld [tilespmem:s28+$0x6060]  }
.LBB2_8:
0xb0: {  	s30 =	sshra.s32 s29, $0x2;
	p0 =	sne.s32 s29, $0x7E00;
	[tilespmem:s28+$0x6000] =	vst v12;
	v5 =	vadd.f32 v5, v10;
	v10 =	vld [tilespmem:s28+$0x6070]  }
0xb1: {  	v12 =	vld [tilespmem:s30+$0x8000];
	[tilespmem:s28+$0x6010] =	vst v11;
	v4 =	vadd.f32 v4, v9  }
0xb2: {  	v11 =	vld [tilespmem:s30+$0x8010];
	[tilespmem:s28+$0x6020] =	vst v5;
	v3 =	vadd.f32 v3, v8  }
0xb3: {  	v5 =	vld [tilespmem:s30+$0x8020];
	[tilespmem:s28+$0x6030] =	vst v4;
	v2 =	vadd.f32 v2, v6  }
0xb4: {  	v4 =	vld [tilespmem:s30+$0x8030];
	[tilespmem:s28+$0x6040] =	vst v3;
	v1 =	vadd.f32 v1, v7  }
0xb5: {  	v3 =	vld [tilespmem:s30+$0x8040];
	[tilespmem:s28+$0x6050] =	vst v2;
	v0 =	vadd.f32 v0, v10  }
0xb6: {  	v2 =	vld [tilespmem:s30+$0x8050];
	[tilespmem:s28+$0x6060] =	vst v1  }
0xb7: {  	v1 =	vld [tilespmem:s30+$0x8060];
	[tilespmem:s28+$0x6070] =	vst v0;
	s28 =	smov.u32 s30  }
0xb8: {  	v0 =	vld [tilespmem:s28+$0x8070]  }
0xb9: {  	v6 =	vld [tilespmem:s28+$0x6000]  }
0xba: {  	v7 =	vld [tilespmem:s28+$0x6010]  }
.Ltmp3:
0xbb: {  	v10 =	vld [tilespmem:s28+$0x6020];
	(pc) =	sbr.rel @p0 .LBB2_8-.Ltmp3, $4  }
0xbc: {  	v9 =	vld [tilespmem:s28+$0x6030]  }
0xbd: {  	v8 =	vld [tilespmem:s28+$0x6040]  }
0xbe: {  	v12 =	vadd.f32 v12, v6;
	v6 =	vld [tilespmem:s28+$0x6050]  }
0xbf: {  	s29 =	sadd.s32 $0x200, s29;
	v11 =	vadd.f32 v11, v7;
	v7 =	vld [tilespmem:s28+$0x6060]  }
0xc0: {  	[tilespmem:s28+$0x6000] =	vst v12;
	v5 =	vadd.f32 v5, v10;
	v63 =	vld [tilespmem:s28+$0x6070]  }
0xc1: {  	[tilespmem:s28+$0x6010] =	vst v11;
	v4 =	vadd.f32 v4, v9  }
0xc2: {  	[tilespmem:s28+$0x6020] =	vst v5;
	v3 =	vadd.f32 v3, v8  }
0xc3: {  	[tilespmem:s28+$0x6030] =	vst v4;
	v2 =	vadd.f32 v2, v6  }
0xc4: {  	[tilespmem:s28+$0x6040] =	vst v3;
	v1 =	vadd.f32 v1, v7  }
0xc5: {  	[tilespmem:s28+$0x6050] =	vst v2;
	v0 =	vadd.f32 v0, v63  }
0xc6: {  	[tilespmem:s28+$0x6060] =	vst v1  }
0xc7: {  	[tilespmem:s28+$0x6070] =	vst v0  }
0xc8: {  	[hbm4b:s11+s2] =	stream.linear.scatter [tilespmem:s16], [sflag:$0x8], $0x2000, $0x38;
	[tilespmem:$0xA000] =	vst v63  }
0xc9: {  	_ =	swait.ge [sflag:s22], $0x2000  }
0xca: {  	[sflag:s22] =	ssyncset.done $0x0  }
0xcb: {  	[sflag:s22] =	ssyncadd.s32 $0xFFFFE000  }
0xcc: {  	_ =	swait.ge [sflag:s23], $0x2000  }
0xcd: {  	[sflag:s23] =	ssyncset.done $0x0  }
0xce: {  	s26 =	sadd.s32 $0x1, s26;
	[sflag:s23] =	ssyncadd.s32 $0xFFFFE000  }
0xcf: {  	p0 =	sne.s32 s26, s12;
	_ =	swait.ge [sflag:s24], $0x2000  }
.Ltmp4:
0xd0: {  	[sflag:s24] =	ssyncset.done $0x0;
	(pc) =	sbr.rel @p0 .LBB2_1-.Ltmp4, $4  }
0xd1: {  	[sflag:s24] =	ssyncadd.s32 $0xFFFFE000  }
0xd2: {  	_ =	swait.ge [sflag:s25], $0x2000  }
0xd3: {  	[sflag:s25] =	ssyncset.done $0x0  }
0xd4: {  	[sflag:s25] =	ssyncadd.s32 $0xFFFFE000  }
0xd5: {  	_ =	sfence.sel $0x180000  }
0xd6: {  	[bflag:$0x0] =	sbarrier.arrive $0xFFFF  }
0xd7: {  	p0 =	sne.s32 s1, $0x0;
	_ =	strace $0x90000047  }
0xd8: {  	s0 =	sadd.s32 @!p0 $0x100000, s0;
	[bflag:$0x2] =	sbarrier.arrive $0xFFFF  }
0xd9: {  	[sflag:s0] =	ssyncadd.tile.s32 @!p0 $0x1;
	_ =	shalt  }
.Lfunc_end2:
_tile_overlayer_lowered:
.L_overlay_start_2:
0xda: {  	(tag) =	ssettag $0x2  }
0xdb: {  	s0 =	rddreg [dreg:$0x0];
	s2 =	stileid.u32  }
0xdc: {  	s1 =	rddreg [dreg:$0x1];
	p0 =	sne.s32 s2, $0x0  }
0xdd: {  	s3 =	rddreg [dreg:$0x2];
	[bflag:$0x3] =	sbarrier.arrive $0xFFFF;
	s2 =	simm.s32 @!p0 $0x1C0A  }
0xde: {  	[timem:s3], [sflag:s2] =	dma.local @!p0 [hbm:s0], s1  }
0xdf: {  	s0 =	simm.s32 @!p0 $0xA  }
0xe0: {  	_ =	swait.ge @!p0 [sflag:s0], s1  }
0xe1: {  	s1 =	ssub.s32 @!p0 $0x0, s1;
	[sflag:s0] =	ssyncset.done @!p0 $0x0  }
0xe2: {  	[sflag:s0] =	ssyncadd.s32 @!p0 s1  }
0xe3: {  	[bflag:$0x3] =	sbarrier.arrive $0xFFFF  }
0xe4: {  	_ =	shalt  }

</sc_bundles>
